<compile_context>
chip_gen: v7x
topology: tpu7x:2x2x1
jax: 0.10.2.dev20260603
libtpu: 0.0.44.dev20260713+nightly
codegen_flags: <defaults>
</compile_context>

<pallas_src>
import functools

import jax
import jax.numpy as jnp
from jax import lax
from jax.experimental import pallas as pl
from jax.experimental.pallas import tpu as pltpu
from jax.experimental.pallas import tpu_sc as plsc

B = 2
S = 2048
D = 1024
H = 4
HD = 64
IDX_D = H * HD
K_TOP = 256
HALF = D // 2
BT = 1024
_LN1E4 = 9.210340371976184

_NC = 2
_NS = 16
_NW = _NC * _NS
_ROWS = B * K_TOP
_RPW = _ROWS // _NW


def _rope_tables(pos, n):
    j = lax.broadcasted_iota(jnp.int32, (n, HALF), 1).astype(jnp.float32)
    inv_freq = jnp.exp(j * (-_LN1E4 / HALF))
    f = pos * inv_freq
    return jnp.cos(f), jnp.sin(f)


def _rope_apply(z, c, s):
    z1 = z[:, :HALF]
    z2 = z[:, HALF:]
    return jnp.concatenate([z1 * c - z2 * s, z1 * s + z2 * c], axis=1)


def _cumsum_lanes(x):
    n = 1
    while n < S:
        x = x + jnp.concatenate(
            [jnp.zeros((B, n), x.dtype), x[:, :S - n]], axis=1)
        n *= 2
    return x


def _topk_write(ks, idx_ref, pos_ref):
    bits = lax.bitcast_convert_type(ks, jnp.int32)
    key = bits ^ ((bits >> 31) & jnp.int32(0x7FFFFFFF))
    kk = jnp.int32(K_TOP)
    nneg = jnp.sum((key >= 0).astype(jnp.int32), axis=1, keepdims=True)
    base = jnp.where(nneg >= kk, jnp.int32(0), jnp.int32(-2147483648))

    def bit_body(i, m):
        bbit = lax.shift_left(jnp.int32(1), jnp.int32(30) - i)
        t2 = base | m | bbit
        cnt = jnp.sum((key >= t2).astype(jnp.int32), axis=1, keepdims=True)
        return jnp.where(cnt >= kk, m | bbit, m)

    m = lax.fori_loop(0, 31, bit_body, jnp.zeros((B, 1), jnp.int32))
    thr = base | m
    gt = key > thr
    ties = key == thr
    need = kk - jnp.sum(gt.astype(jnp.int32), axis=1, keepdims=True)
    tie_rank = _cumsum_lanes(ties.astype(jnp.int32))
    sel = gt | (ties & (tie_rank <= need))
    rank = _cumsum_lanes(sel.astype(jnp.int32)) - 1
    posi = lax.broadcasted_iota(jnp.int32, (1, S), 1)
    pos_hl = jnp.concatenate(
        [(posi >> 8).astype(jnp.float32), (posi & 255).astype(jnp.float32)],
        axis=0)
    riota = lax.broadcasted_iota(jnp.int32, (K_TOP, S), 0)
    for b in range(B):
        selb = jnp.broadcast_to(sel[b:b + 1, :], (K_TOP, S))
        rankb = jnp.broadcast_to(rank[b:b + 1, :], (K_TOP, S))
        oh = (selb & (rankb == riota)).astype(jnp.float32)
        hl = lax.dot_general(pos_hl, oh, (((1,), (1,)), ((), ())),
                             preferred_element_type=jnp.float32)
        idx_f = hl[0:1] * 256.0 + hl[1:2]
        pos_ref[b:b + 1, :] = idx_f
        idx_ref[b:b + 1, :] = idx_f.astype(jnp.int32) + jnp.int32(b * S)


def _indexer_body(x_ref, wiq_ref, wik_ref, w_ref, idx_ref, pos_ref,
                  qibuf, kibuf, ksbuf):
    b = pl.program_id(0)
    p = pl.program_id(1)
    t = pl.program_id(2)

    @pl.when(p == 0)
    def _():
        xb = x_ref[0]
        qibuf[pl.ds(t * BT, BT), :] = jnp.dot(
            xb, wiq_ref[...], preferred_element_type=jnp.float32)
        kibuf[pl.ds(t * BT, BT), :] = jnp.dot(
            xb, wik_ref[...], preferred_element_type=jnp.float32)

    @pl.when(p == 1)
    def _():
        qib = qibuf[pl.ds(t * BT, BT), :]
        kib = kibuf[...]
        acc = jnp.zeros((1, S), jnp.float32)
        for h in range(H):
            qh = qib[:, h * HD:(h + 1) * HD]
            kh = kib[:, h * HD:(h + 1) * HD]
            sc = lax.dot_general(qh, kh, (((1,), (1,)), ((), ())),
                                 preferred_element_type=jnp.float32)
            acc = acc + w_ref[h] * jnp.sum(jnp.maximum(sc, 0.0), axis=0,
                                           keepdims=True)

        @pl.when(t == 0)
        def _():
            ksbuf[pl.ds(b, 1), :] = acc

        @pl.when(t != 0)
        def _():
            ksbuf[pl.ds(b, 1), :] = ksbuf[pl.ds(b, 1), :] + acc

        @pl.when((b == B - 1) & (t == S // BT - 1))
        def _():
            _topk_write(ksbuf[...], idx_ref, pos_ref)


def _indexer(x, Wiq, Wik, w_head):
    return pl.pallas_call(
        _indexer_body,
        grid=(B, 2, S // BT),
        in_specs=[
            pl.BlockSpec((1, BT, D), lambda b, p, t: (b, t * (1 - p), 0)),
            pl.BlockSpec((D, IDX_D), lambda b, p, t: (0, 0)),
            pl.BlockSpec((D, IDX_D), lambda b, p, t: (0, 0)),
            pl.BlockSpec(memory_space=pltpu.SMEM),
        ],
        out_specs=[
            pl.BlockSpec((B, K_TOP), lambda b, p, t: (0, 0)),
            pl.BlockSpec((B, K_TOP), lambda b, p, t: (0, 0)),
        ],
        out_shape=[
            jax.ShapeDtypeStruct((B, K_TOP), jnp.int32),
            jax.ShapeDtypeStruct((B, K_TOP), jnp.float32),
        ],
        scratch_shapes=[
            pltpu.VMEM((S, IDX_D), jnp.float32),
            pltpu.VMEM((S, IDX_D), jnp.float32),
            pltpu.VMEM((B, S), jnp.float32),
        ],
    )(x, Wiq, Wik, w_head)


@functools.cache
def _make_sc_gather():
    def body(x_hbm, idx_hbm, xsel_hbm, idx_v, rows, sem):
        wid = lax.axis_index("s") * _NC + lax.axis_index("c")
        base = wid * _RPW
        pltpu.sync_copy(idx_hbm.at[pl.ds(base, _RPW)], idx_v)
        pltpu.async_copy(x_hbm.at[idx_v], rows, sem).wait()
        pltpu.sync_copy(rows, xsel_hbm.at[pl.ds(base, _RPW)])

    return pl.kernel(
        body,
        out_type=jax.ShapeDtypeStruct((_ROWS, D), jnp.float32),
        mesh=plsc.VectorSubcoreMesh(core_axis_name="c", subcore_axis_name="s",
                                    num_cores=_NC, num_subcores=_NS),
        scratch_types=[
            pltpu.VMEM((_RPW,), jnp.int32),
            pltpu.VMEM((_RPW, D), jnp.float32),
            pltpu.SemaphoreType.DMA,
        ],
    )


BT_A = 1024


def _attn_body(x16_ref, wq_ref, bq_ref, xsel_ref, pos_ref, wkv_ref, bkv_ref,
               wo_ref, bo_ref, o_ref, ksel_s, vsel_s):
    t = pl.program_id(1)

    @pl.when(t == 0)
    def _():
        xs = xsel_ref[0].astype(jnp.bfloat16)
        kv = jnp.dot(xs, wkv_ref[...], preferred_element_type=jnp.float32)
        kv = kv + bkv_ref[...]
        c, s = _rope_tables(pos_ref[0], K_TOP)
        ksel_s[...] = _rope_apply(kv[:, :D], c, s).astype(jnp.bfloat16)
        vsel_s[...] = kv[:, D:].astype(jnp.bfloat16)

    q = jnp.dot(x16_ref[0], wq_ref[...], preferred_element_type=jnp.float32)
    q = q + bq_ref[...]
    pos = (lax.broadcasted_iota(jnp.int32, (BT_A, 1), 0) + t * BT_A
           ).astype(jnp.float32)
    c, s = _rope_tables(pos, BT_A)
    qb = _rope_apply(q, c, s).astype(jnp.bfloat16)
    sc = lax.dot_general(qb, ksel_s[...], (((1,), (1,)), ((), ())),
                         preferred_element_type=jnp.float32) * (1.0 / 32.0)
    mx = jnp.max(sc, axis=1, keepdims=True)
    p = jnp.exp(sc - mx)
    p = p / jnp.sum(p, axis=1, keepdims=True)
    attn = jnp.dot(p.astype(jnp.bfloat16), vsel_s[...],
                   preferred_element_type=jnp.float32)
    o_ref[0] = (jnp.dot(attn.astype(jnp.bfloat16), wo_ref[...],
                        preferred_element_type=jnp.float32) + bo_ref[...])


def _attn(x16, Wq, bq, xsel, pos, Wkv, bkv, Wo, bo):
    return pl.pallas_call(
        _attn_body,
        grid=(B, S // BT_A),
        in_specs=[
            pl.BlockSpec((1, BT_A, D), lambda b, t: (b, t, 0)),
            pl.BlockSpec((D, D), lambda b, t: (0, 0)),
            pl.BlockSpec((1, D), lambda b, t: (0, 0)),
            pl.BlockSpec((1, K_TOP, D), lambda b, t: (b, 0, 0)),
            pl.BlockSpec((1, K_TOP, 1), lambda b, t: (b, 0, 0)),
            pl.BlockSpec((D, 2 * D), lambda b, t: (0, 0)),
            pl.BlockSpec((1, 2 * D), lambda b, t: (0, 0)),
            pl.BlockSpec((D, D), lambda b, t: (0, 0)),
            pl.BlockSpec((1, D), lambda b, t: (0, 0)),
        ],
        out_specs=pl.BlockSpec((1, BT_A, D), lambda b, t: (b, t, 0)),
        out_shape=jax.ShapeDtypeStruct((B, S, D), jnp.float32),
        scratch_shapes=[
            pltpu.VMEM((K_TOP, D), jnp.bfloat16),
            pltpu.VMEM((K_TOP, D), jnp.bfloat16),
        ],
    )(x16, Wq, bq, xsel, pos, Wkv, bkv, Wo, bo)


def kernel(x, Wqkv, bqkv, Wo, bo, Wiq, Wik, w_head):
    idx, pos = _indexer(x, Wiq, Wik, w_head)
    xsel = _make_sc_gather()(x.reshape(B * S, D), idx.reshape(_ROWS))
    return _attn(x.astype(jnp.bfloat16), Wqkv[:, :D].astype(jnp.bfloat16),
                 bqkv[:D].reshape(1, D), xsel.reshape(B, K_TOP, D),
                 pos.reshape(B, K_TOP, 1),
                 Wqkv[:, D:].astype(jnp.bfloat16), bqkv[D:].reshape(1, 2 * D),
                 Wo.astype(jnp.bfloat16), bo.reshape(1, D))

# --- scband reference (transcript-rebuilt; emitter-appended) ---
"""Pipeline reference for scband-sparse-attention-with-visualization-69853348102277 (READ-ONLY COPY).

The authoritative reference and input builder live on the scoring server;
editing this copy changes nothing except your own understanding.
"""

import jax, jax.numpy as jnp
import numpy as np

D_MODEL = 1024
IDX_HEADS = 4
IDX_DIM = 64
TOP_K = 256


def _rope(x):
    # x: [B, S, D]; standard rotate-half RoPE over full d_model
    B, S, D = x.shape
    half = D // 2
    inv_freq = 1.0 / (10000.0 ** (jnp.arange(half, dtype=jnp.float32) / half))
    pos = jnp.arange(S, dtype=jnp.float32)
    freqs = pos[:, None] * inv_freq[None, :]  # [S, half]
    cos = jnp.cos(freqs)[None, :, :]
    sin = jnp.sin(freqs)[None, :, :]
    x1 = x[..., :half]
    x2 = x[..., half:]
    return jnp.concatenate([x1 * cos - x2 * sin, x1 * sin + x2 * cos], axis=-1)


def setup_inputs(seed: int = 0) -> dict:
    key = jax.random.key(seed)
    ks = jax.random.split(key, 9)
    B, S, D = 2, 2048, D_MODEL
    x = jax.random.normal(ks[0], (B, S, D), dtype=jnp.float32)
    sc = 0.02
    Wqkv = jax.random.normal(ks[1], (D, 3 * D), dtype=jnp.float32) * sc
    bqkv = jnp.zeros((3 * D,), dtype=jnp.float32)
    Wo = jax.random.normal(ks[2], (D, D), dtype=jnp.float32) * sc
    bo = jnp.zeros((D,), dtype=jnp.float32)
    Wiq = jax.random.normal(ks[3], (D, IDX_HEADS * IDX_DIM), dtype=jnp.float32) * sc
    Wik = jax.random.normal(ks[4], (D, IDX_HEADS * IDX_DIM), dtype=jnp.float32) * sc
    w_head = jnp.ones((IDX_HEADS,), dtype=jnp.float32)
    return {"x": x, "Wqkv": Wqkv, "bqkv": bqkv, "Wo": Wo, "bo": bo,
            "Wiq": Wiq, "Wik": Wik, "w_head": w_head}


def reference(x, Wqkv, bqkv, Wo, bo, Wiq, Wik, w_head):
    B, S, D = x.shape
    # qkv projection and split
    qkv = x @ Wqkv + bqkv
    Q, K, V = jnp.split(qkv, 3, axis=-1)
    Q = _rope(Q)
    K = _rope(K)
    # Lightning indexer: per-head ReLU(q.k) scores weighted per head -> [B, H, S, S]
    qi = (x @ Wiq).reshape(B, S, IDX_HEADS, IDX_DIM)
    ki = (x @ Wik).reshape(B, S, IDX_HEADS, IDX_DIM)
    index_scores = jax.nn.relu(jnp.einsum('bthd,bshd->bhts', qi, ki))
    index_scores = index_scores * w_head[None, :, None, None]
    # TopK token selector: aggregate over heads and query positions -> key importance [B, S]
    key_scores = index_scores.sum(axis=(1, 2))
    k = min(TOP_K, S)
    _, sel_idx = jax.lax.top_k(key_scores, k)  # [B, k]
    top_k_mask = jnp.zeros((B, S), dtype=bool).at[jnp.arange(B)[:, None], sel_idx].set(True)
    # sparse attention with additive mask (broadcast over query dim)
    attn_mask = jnp.where(top_k_mask, 0.0, -jnp.inf)[:, None, :]  # [B, 1, S]
    scores = jnp.einsum('btd,bsd->bts', Q, K) / jnp.sqrt(jnp.float32(D))
    scores = scores + attn_mask
    attn_weights = jax.nn.softmax(scores, axis=-1)
    attn_output = jnp.einsum('bts,bsd->btd', attn_weights, V)
    output = attn_output @ Wo + bo
    return output

if __name__ == "__main__":
    import jax
    _d = setup_inputs()
    print(jax.jit(kernel)(*tuple(_d.values())))

</pallas_src>

<mosaic_0001>
#map = affine_map<(d0, d1) -> (0, 0)>
#map1 = affine_map<(d0, d1) -> (0)>
module attributes {stable_mosaic.version = 14 : i64} {
  func.func @body(%arg0: i32, %arg1: i32, %arg2: memref<4096x1024xf32, #tpu.memory_space<hbm>>, %arg3: memref<512xi32, #tpu.memory_space<hbm>>, %arg4: memref<512x1024xf32, #tpu.memory_space<hbm>>, %arg5: memref<16xi32, #tpu.memory_space<vmem>>, %arg6: memref<16x1024xf32, #tpu.memory_space<vmem>>, %arg7: memref<!tpu.dma_semaphore, #tpu.memory_space<semaphore_mem>>) attributes {dimension_semantics = [#tpu.dimension_semantics<core_parallel>, #tpu.dimension_semantics<subcore_parallel>], iteration_bounds = array<i64: 2, 16>, scalar_prefetch = 0 : i64, scratch_operands = 3 : i64, tpu.core_type = #tpu.core_type<sc_vector_subcore>, window_params = [{transform_indices = #map}, {transform_indices = #map1}, {transform_indices = #map}]} {
    %mul3A = arith.constant 2 : i32
    %mul3A_0 = arith.muli %arg1, %mul3A : i32
    %add3A = arith.addi %mul3A_0, %arg0 : i32
    %mul3A_1 = arith.constant 16 : i32
    %mul3A_2 = arith.muli %add3A, %mul3A_1 : i32
    "tpu.region"() ({
      %run_scoped3A = tpu.sem_alloc : memref<!tpu.dma_semaphore, #tpu.memory_space<semaphore_mem>>
      %dma_start3A_7 = tpu.memref_slice %arg3[%mul3A_2] : memref<512xi32, #tpu.memory_space<hbm>> -> memref<16xi32, #tpu.memory_space<hbm>>
      %dma_start3A_8 = tpu.memref_slice %arg3[%mul3A_2] : memref<512xi32, #tpu.memory_space<hbm>> -> memref<16xi32, #tpu.memory_space<hbm>>
      tpu.enqueue_dma source(%dma_start3A_8 : memref<16xi32, #tpu.memory_space<hbm>>) target(%arg5 : memref<16xi32, #tpu.memory_space<vmem>>) target_semaphore(%run_scoped3A : memref<!tpu.dma_semaphore, #tpu.memory_space<semaphore_mem>>)
      %dma_wait3A_9 = tpu.memref_slice %arg3[%mul3A_2] : memref<512xi32, #tpu.memory_space<hbm>> -> memref<16xi32, #tpu.memory_space<hbm>>
      %dma_wait3A_10 = tpu.memref_slice %arg3[%mul3A_2] : memref<512xi32, #tpu.memory_space<hbm>> -> memref<16xi32, #tpu.memory_space<hbm>>
      tpu.wait_dma2 semaphore(%run_scoped3A : memref<!tpu.dma_semaphore, #tpu.memory_space<semaphore_mem>>) src(%dma_wait3A_10 : memref<16xi32, #tpu.memory_space<hbm>>) dst(%arg5 : memref<16xi32, #tpu.memory_space<vmem>>)
      tpu.yield
    }) : () -> ()
    %dma_start3A = arith.constant 0 : i32
    %dma_start3A_3 = arith.constant 0 : i32
    %dma_start3A_4 = tpu.memref_slice %arg2[%dma_start3A, %dma_start3A_3] : memref<4096x1024xf32, #tpu.memory_space<hbm>> -> memref<4096x1024xf32, #tpu.memory_space<hbm>>
    tpu.enqueue_indirect_dma source(%dma_start3A_4 : memref<4096x1024xf32, #tpu.memory_space<hbm>>) target(%arg6 : memref<16x1024xf32, #tpu.memory_space<vmem>>) offsets(%arg5 : memref<16xi32, #tpu.memory_space<vmem>>) semaphore(%arg7 : memref<!tpu.dma_semaphore, #tpu.memory_space<semaphore_mem>>)
    %dma_wait3A = arith.constant 0 : i32
    %dma_wait3A_5 = arith.constant 0 : i32
    %dma_wait3A_6 = tpu.memref_slice %arg2[%dma_wait3A, %dma_wait3A_5] : memref<4096x1024xf32, #tpu.memory_space<hbm>> -> memref<4096x1024xf32, #tpu.memory_space<hbm>>
    tpu.wait_indirect_dma semaphore(%arg7 : memref<!tpu.dma_semaphore, #tpu.memory_space<semaphore_mem>>) src(%dma_wait3A_6 : memref<4096x1024xf32, #tpu.memory_space<hbm>>) dst(%arg6 : memref<16x1024xf32, #tpu.memory_space<vmem>>)
    "tpu.region"() ({
      %run_scoped3A = tpu.sem_alloc : memref<!tpu.dma_semaphore, #tpu.memory_space<semaphore_mem>>
      %dma_start3A_7 = arith.constant 0 : i32
      %dma_start3A_8 = tpu.memref_slice %arg4[%mul3A_2, %dma_start3A_7] : memref<512x1024xf32, #tpu.memory_space<hbm>> -> memref<16x1024xf32, #tpu.memory_space<hbm>>
      %dma_start3A_9 = arith.constant 0 : i32
      %dma_start3A_10 = tpu.memref_slice %arg4[%mul3A_2, %dma_start3A_9] : memref<512x1024xf32, #tpu.memory_space<hbm>> -> memref<16x1024xf32, #tpu.memory_space<hbm>>
      tpu.enqueue_dma source(%arg6 : memref<16x1024xf32, #tpu.memory_space<vmem>>) target(%dma_start3A_10 : memref<16x1024xf32, #tpu.memory_space<hbm>>) target_semaphore(%run_scoped3A : memref<!tpu.dma_semaphore, #tpu.memory_space<semaphore_mem>>)
      %dma_wait3A_11 = arith.constant 0 : i32
      %dma_wait3A_12 = tpu.memref_slice %arg4[%mul3A_2, %dma_wait3A_11] : memref<512x1024xf32, #tpu.memory_space<hbm>> -> memref<16x1024xf32, #tpu.memory_space<hbm>>
      %dma_wait3A_13 = arith.constant 0 : i32
      %dma_wait3A_14 = tpu.memref_slice %arg4[%mul3A_2, %dma_wait3A_13] : memref<512x1024xf32, #tpu.memory_space<hbm>> -> memref<16x1024xf32, #tpu.memory_space<hbm>>
      tpu.wait_dma2 semaphore(%run_scoped3A : memref<!tpu.dma_semaphore, #tpu.memory_space<semaphore_mem>>) src(%arg6 : memref<16x1024xf32, #tpu.memory_space<vmem>>) dst(%dma_wait3A_14 : memref<16x1024xf32, #tpu.memory_space<hbm>>)
      tpu.yield
    }) : () -> ()
    return
  }
}

module attributes {stable_mosaic.version = 14 : i64} {
  func.func @_indexer_body(%arg0: i32, %arg1: i32, %arg2: i32, %arg3: memref<1x1024x1024xf32, #tpu.memory_space<vmem>>, %arg4: memref<1024x256xf32, #tpu.memory_space<vmem>>, %arg5: memref<1024x256xf32, #tpu.memory_space<vmem>>, %arg6: memref<4xf32, #tpu.memory_space<smem>>, %arg7: memref<2x256xi32, #tpu.memory_space<vmem>>, %arg8: memref<2x256xf32, #tpu.memory_space<vmem>>, %arg9: memref<2048x256xf32, #tpu.memory_space<vmem>>, %arg10: memref<2048x256xf32, #tpu.memory_space<vmem>>, %arg11: memref<2x2048xf32, #tpu.memory_space<vmem>>) attributes {dimension_semantics = [#tpu.dimension_semantics<arbitrary>, #tpu.dimension_semantics<arbitrary>, #tpu.dimension_semantics<arbitrary>], iteration_bounds = array<i64: 2, 2, 2>, scalar_prefetch = 0 : i64, scratch_operands = 3 : i64, tpu.core_type = #tpu.core_type<tc>, window_params = [{transform_indices = @transform_0, window_bounds = array<i64: 1, 1024, 1024>}, {pipeline_mode = #tpu.pipeline_mode<synchronous>, transform_indices = @transform_1, window_bounds = array<i64: 1024, 256>}, {pipeline_mode = #tpu.pipeline_mode<synchronous>, transform_indices = @transform_2, window_bounds = array<i64: 1024, 256>}, {transform_indices = @transform_3, window_bounds = array<i64: 4>}, {pipeline_mode = #tpu.pipeline_mode<synchronous>, transform_indices = @transform_4, window_bounds = array<i64: 2, 256>}, {pipeline_mode = #tpu.pipeline_mode<synchronous>, transform_indices = @transform_5, window_bounds = array<i64: 2, 256>}]} {
    %eq3A = arith.constant 0 : i32
    %eq3A_0 = arith.cmpi eq, %arg1, %eq3A : i32
    %convert_element_type3A = arith.extui %eq3A_0 : i1 to i32
    %cond3A = arith.constant 0 : i32
    %cond3A_1 = arith.cmpi ne, %convert_element_type3A, %cond3A : i32
    scf.if %cond3A_1 {
      %get3A = arith.constant 0 : index
      %get3A_7 = arith.constant 0 : index
      %get3A_8 = arith.constant 0 : index
      %get3A_9 = vector.load %arg3[%get3A, %get3A_7, %get3A_8] : memref<1x1024x1024xf32, #tpu.memory_space<vmem>>, vector<1x1024x1024xf32>
      %get3A_10 = vector.shape_cast %get3A_9 : vector<1x1024x1024xf32> to vector<1024x1024xf32>
      %get3A_11 = arith.constant 0 : index
      %get3A_12 = arith.constant 0 : index
      %get3A_13 = vector.load %arg4[%get3A_11, %get3A_12] : memref<1024x256xf32, #tpu.memory_space<vmem>>, vector<1024x256xf32>
      %dot_general3A = arith.constant dense<0.000000e+00> : vector<1024x256xf32>
      %dot_general3A_14 = tpu.matmul %get3A_10, %get3A_13, %dot_general3A {dimension_numbers = #tpu.dot_dimension_numbers<[1], [0], [0], [1], [0, 0, 1, 1], [], []>, transpose_lhs_hint = false} : vector<1024x1024xf32>, vector<1024x256xf32>, vector<1024x256xf32> -> vector<1024x256xf32>
      %mul3A = arith.constant 1024 : i32
      %mul3A_15 = arith.muli %arg2, %mul3A : i32
      %swap3A = arith.index_cast %mul3A_15 : i32 to index
      %swap3A_16 = arith.constant 0 : index
      %swap3A_17 = vector.load %arg9[%swap3A, %swap3A_16] : memref<2048x256xf32, #tpu.memory_space<vmem>>, vector<1024x256xf32>
      tpu.vector_store %arg9[%swap3A, %swap3A_16], %dot_general3A_14 {strides = array<i32>} : memref<2048x256xf32, #tpu.memory_space<vmem>>, vector<1024x256xf32>,
      %get3A_18 = arith.constant 0 : index
      %get3A_19 = arith.constant 0 : index
      %get3A_20 = vector.load %arg5[%get3A_18, %get3A_19] : memref<1024x256xf32, #tpu.memory_space<vmem>>, vector<1024x256xf32>
      %dot_general3A_21 = arith.constant dense<0.000000e+00> : vector<1024x256xf32>
      %dot_general3A_22 = tpu.matmul %get3A_10, %get3A_20, %dot_general3A_21 {dimension_numbers = #tpu.dot_dimension_numbers<[1], [0], [0], [1], [0, 0, 1, 1], [], []>, transpose_lhs_hint = false} : vector<1024x1024xf32>, vector<1024x256xf32>, vector<1024x256xf32> -> vector<1024x256xf32>
      %mul3A_23 = arith.constant 1024 : i32
      %mul3A_24 = arith.muli %arg2, %mul3A_23 : i32
      %swap3A_25 = arith.index_cast %mul3A_24 : i32 to index
      %swap3A_26 = arith.constant 0 : index
      %swap3A_27 = vector.load %arg10[%swap3A_25, %swap3A_26] : memref<2048x256xf32, #tpu.memory_space<vmem>>, vector<1024x256xf32>
      tpu.vector_store %arg10[%swap3A_25, %swap3A_26], %dot_general3A_22 {strides = array<i32>} : memref<2048x256xf32, #tpu.memory_space<vmem>>, vector<1024x256xf32>,
    } else {
    }
    %eq3A_2 = arith.constant 1 : i32
    %eq3A_3 = arith.cmpi eq, %arg1, %eq3A_2 : i32
    %convert_element_type3A_4 = arith.extui %eq3A_3 : i1 to i32
    %cond3A_5 = arith.constant 0 : i32
    %cond3A_6 = arith.cmpi ne, %convert_element_type3A_4, %cond3A_5 : i32
    scf.if %cond3A_6 {
      %mul3A = arith.constant 1024 : i32
      %mul3A_7 = arith.muli %arg2, %mul3A : i32
      %get3A = arith.index_cast %mul3A_7 : i32 to index
      %get3A_8 = arith.constant 0 : index
      %get3A_9 = vector.load %arg9[%get3A, %get3A_8] : memref<2048x256xf32, #tpu.memory_space<vmem>>, vector<1024x256xf32>
      %get3A_10 = arith.constant 0 : index
      %get3A_11 = arith.constant 0 : index
      %get3A_12 = vector.load %arg10[%get3A_10, %get3A_11] : memref<2048x256xf32, #tpu.memory_space<vmem>>, vector<2048x256xf32>
      %broadcast_in_dim3A = arith.constant 0.000000e+00 : f32
      %broadcast_in_dim3A_13 = vector.broadcast %broadcast_in_dim3A : f32 to vector<1x2048xf32>
      %slice3A = vector.extract_strided_slice %get3A_9 {offsets = [0, 0], sizes = [1024, 64], strides = [1, 1]} : vector<1024x256xf32> to vector<1024x64xf32>
      %slice3A_14 = vector.extract_strided_slice %get3A_12 {offsets = [0, 0], sizes = [2048, 64], strides = [1, 1]} : vector<2048x256xf32> to vector<2048x64xf32>
      %dot_general3A = arith.constant dense<0.000000e+00> : vector<1024x2048xf32>
      %dot_general3A_15 = tpu.matmul %slice3A, %slice3A_14, %dot_general3A {dimension_numbers = #tpu.dot_dimension_numbers<[1], [1], [0], [0], [0, 0, 1, 0], [], []>, transpose_lhs_hint = false} : vector<1024x64xf32>, vector<2048x64xf32>, vector<1024x2048xf32> -> vector<1024x2048xf32>
      %get3A_16 = arith.constant 0 : index
      %get3A_17 = memref.load %arg6[%get3A_16] : memref<4xf32, #tpu.memory_space<smem>>
      %max3A = arith.constant 0.000000e+00 : f32
      %max3A_18 = vector.broadcast %max3A : f32 to vector<1024x2048xf32>
      %max3A_19 = arith.maximumf %dot_general3A_15, %max3A_18 : vector<1024x2048xf32>
      %reduce_sum3A = arith.constant dense<0.000000e+00> : vector<2048xf32>
      %reduce_sum3A_20 = vector.multi_reduction <add>, %max3A_19, %reduce_sum3A [0] : vector<1024x2048xf32> to vector<2048xf32>
      %broadcast_in_dim3A_21 = vector.shape_cast %reduce_sum3A_20 : vector<2048xf32> to vector<1x2048xf32>
      %mul3A_22 = vector.broadcast %get3A_17 : f32 to vector<1x2048xf32>
      %mul3A_23 = arith.mulf %mul3A_22, %broadcast_in_dim3A_21 : vector<1x2048xf32>
      %add3A = arith.addf %broadcast_in_dim3A_13, %mul3A_23 : vector<1x2048xf32>
      %slice3A_24 = vector.extract_strided_slice %get3A_9 {offsets = [0, 64], sizes = [1024, 64], strides = [1, 1]} : vector<1024x256xf32> to vector<1024x64xf32>
      %slice3A_25 = vector.extract_strided_slice %get3A_12 {offsets = [0, 64], sizes = [2048, 64], strides = [1, 1]} : vector<2048x256xf32> to vector<2048x64xf32>
      %dot_general3A_26 = arith.constant dense<0.000000e+00> : vector<1024x2048xf32>
      %dot_general3A_27 = tpu.matmul %slice3A_24, %slice3A_25, %dot_general3A_26 {dimension_numbers = #tpu.dot_dimension_numbers<[1], [1], [0], [0], [0, 0, 1, 0], [], []>, transpose_lhs_hint = false} : vector<1024x64xf32>, vector<2048x64xf32>, vector<1024x2048xf32> -> vector<1024x2048xf32>
      %get3A_28 = arith.constant 1 : index
      %get3A_29 = memref.load %arg6[%get3A_28] : memref<4xf32, #tpu.memory_space<smem>>
      %max3A_30 = arith.constant 0.000000e+00 : f32
      %max3A_31 = vector.broadcast %max3A_30 : f32 to vector<1024x2048xf32>
      %max3A_32 = arith.maximumf %dot_general3A_27, %max3A_31 : vector<1024x2048xf32>
      %reduce_sum3A_33 = arith.constant dense<0.000000e+00> : vector<2048xf32>
      %reduce_sum3A_34 = vector.multi_reduction <add>, %max3A_32, %reduce_sum3A_33 [0] : vector<1024x2048xf32> to vector<2048xf32>
      %broadcast_in_dim3A_35 = vector.shape_cast %reduce_sum3A_34 : vector<2048xf32> to vector<1x2048xf32>
      %mul3A_36 = vector.broadcast %get3A_29 : f32 to vector<1x2048xf32>
      %mul3A_37 = arith.mulf %mul3A_36, %broadcast_in_dim3A_35 : vector<1x2048xf32>
      %add3A_38 = arith.addf %add3A, %mul3A_37 : vector<1x2048xf32>
      %slice3A_39 = vector.extract_strided_slice %get3A_9 {offsets = [0, 128], sizes = [1024, 64], strides = [1, 1]} : vector<1024x256xf32> to vector<1024x64xf32>
      %slice3A_40 = vector.extract_strided_slice %get3A_12 {offsets = [0, 128], sizes = [2048, 64], strides = [1, 1]} : vector<2048x256xf32> to vector<2048x64xf32>
      %dot_general3A_41 = arith.constant dense<0.000000e+00> : vector<1024x2048xf32>
      %dot_general3A_42 = tpu.matmul %slice3A_39, %slice3A_40, %dot_general3A_41 {dimension_numbers = #tpu.dot_dimension_numbers<[1], [1], [0], [0], [0, 0, 1, 0], [], []>, transpose_lhs_hint = false} : vector<1024x64xf32>, vector<2048x64xf32>, vector<1024x2048xf32> -> vector<1024x2048xf32>
      %get3A_43 = arith.constant 2 : index
      %get3A_44 = memref.load %arg6[%get3A_43] : memref<4xf32, #tpu.memory_space<smem>>
      %max3A_45 = arith.constant 0.000000e+00 : f32
      %max3A_46 = vector.broadcast %max3A_45 : f32 to vector<1024x2048xf32>
      %max3A_47 = arith.maximumf %dot_general3A_42, %max3A_46 : vector<1024x2048xf32>
      %reduce_sum3A_48 = arith.constant dense<0.000000e+00> : vector<2048xf32>
      %reduce_sum3A_49 = vector.multi_reduction <add>, %max3A_47, %reduce_sum3A_48 [0] : vector<1024x2048xf32> to vector<2048xf32>
      %broadcast_in_dim3A_50 = vector.shape_cast %reduce_sum3A_49 : vector<2048xf32> to vector<1x2048xf32>
      %mul3A_51 = vector.broadcast %get3A_44 : f32 to vector<1x2048xf32>
      %mul3A_52 = arith.mulf %mul3A_51, %broadcast_in_dim3A_50 : vector<1x2048xf32>
      %add3A_53 = arith.addf %add3A_38, %mul3A_52 : vector<1x2048xf32>
      %slice3A_54 = vector.extract_strided_slice %get3A_9 {offsets = [0, 192], sizes = [1024, 64], strides = [1, 1]} : vector<1024x256xf32> to vector<1024x64xf32>
      %slice3A_55 = vector.extract_strided_slice %get3A_12 {offsets = [0, 192], sizes = [2048, 64], strides = [1, 1]} : vector<2048x256xf32> to vector<2048x64xf32>
      %dot_general3A_56 = arith.constant dense<0.000000e+00> : vector<1024x2048xf32>
      %dot_general3A_57 = tpu.matmul %slice3A_54, %slice3A_55, %dot_general3A_56 {dimension_numbers = #tpu.dot_dimension_numbers<[1], [1], [0], [0], [0, 0, 1, 0], [], []>, transpose_lhs_hint = false} : vector<1024x64xf32>, vector<2048x64xf32>, vector<1024x2048xf32> -> vector<1024x2048xf32>
      %get3A_58 = arith.constant 3 : index
      %get3A_59 = memref.load %arg6[%get3A_58] : memref<4xf32, #tpu.memory_space<smem>>
      %max3A_60 = arith.constant 0.000000e+00 : f32
      %max3A_61 = vector.broadcast %max3A_60 : f32 to vector<1024x2048xf32>
      %max3A_62 = arith.maximumf %dot_general3A_57, %max3A_61 : vector<1024x2048xf32>
      %reduce_sum3A_63 = arith.constant dense<0.000000e+00> : vector<2048xf32>
      %reduce_sum3A_64 = vector.multi_reduction <add>, %max3A_62, %reduce_sum3A_63 [0] : vector<1024x2048xf32> to vector<2048xf32>
      %broadcast_in_dim3A_65 = vector.shape_cast %reduce_sum3A_64 : vector<2048xf32> to vector<1x2048xf32>
      %mul3A_66 = vector.broadcast %get3A_59 : f32 to vector<1x2048xf32>
      %mul3A_67 = arith.mulf %mul3A_66, %broadcast_in_dim3A_65 : vector<1x2048xf32>
      %add3A_68 = arith.addf %add3A_53, %mul3A_67 : vector<1x2048xf32>
      %eq3A_69 = arith.constant 0 : i32
      %eq3A_70 = arith.cmpi eq, %arg2, %eq3A_69 : i32
      %convert_element_type3A_71 = arith.extui %eq3A_70 : i1 to i32
      %cond3A_72 = arith.constant 0 : i32
      %cond3A_73 = arith.cmpi ne, %convert_element_type3A_71, %cond3A_72 : i32
      scf.if %cond3A_73 {
        %swap3A = arith.index_cast %arg0 : i32 to index
        %swap3A_85 = arith.constant 0 : index
        %swap3A_86 = vector.load %arg11[%swap3A, %swap3A_85] : memref<2x2048xf32, #tpu.memory_space<vmem>>, vector<1x2048xf32>
        tpu.vector_store %arg11[%swap3A, %swap3A_85], %add3A_68 {strides = array<i32>} : memref<2x2048xf32, #tpu.memory_space<vmem>>, vector<1x2048xf32>,
      } else {
      }
      %ne3A = arith.constant 0 : i32
      %ne3A_74 = arith.cmpi ne, %arg2, %ne3A : i32
      %convert_element_type3A_75 = arith.extui %ne3A_74 : i1 to i32
      %cond3A_76 = arith.constant 0 : i32
      %cond3A_77 = arith.cmpi ne, %convert_element_type3A_75, %cond3A_76 : i32
      scf.if %cond3A_77 {
        %get3A_85 = arith.index_cast %arg0 : i32 to index
        %get3A_86 = arith.constant 0 : index
        %get3A_87 = vector.load %arg11[%get3A_85, %get3A_86] : memref<2x2048xf32, #tpu.memory_space<vmem>>, vector<1x2048xf32>
        %add3A_88 = arith.addf %get3A_87, %add3A_68 : vector<1x2048xf32>
        %swap3A = arith.index_cast %arg0 : i32 to index
        %swap3A_89 = arith.constant 0 : index
        %swap3A_90 = vector.load %arg11[%swap3A, %swap3A_89] : memref<2x2048xf32, #tpu.memory_space<vmem>>, vector<1x2048xf32>
        tpu.vector_store %arg11[%swap3A, %swap3A_89], %add3A_88 {strides = array<i32>} : memref<2x2048xf32, #tpu.memory_space<vmem>>, vector<1x2048xf32>,
      } else {
      }
      %eq3A_78 = arith.constant 1 : i32
      %eq3A_79 = arith.cmpi eq, %arg0, %eq3A_78 : i32
      %eq3A_80 = arith.constant 1 : i32
      %eq3A_81 = arith.cmpi eq, %arg2, %eq3A_80 : i32
      %and3A = arith.andi %eq3A_79, %eq3A_81 : i1
      %convert_element_type3A_82 = arith.extui %and3A : i1 to i32
      %cond3A_83 = arith.constant 0 : i32
      %cond3A_84 = arith.cmpi ne, %convert_element_type3A_82, %cond3A_83 : i32
      scf.if %cond3A_84 {
        %get3A_85 = arith.constant 0 : index
        %get3A_86 = arith.constant 0 : index
        %get3A_87 = vector.load %arg11[%get3A_85, %get3A_86] : memref<2x2048xf32, #tpu.memory_space<vmem>>, vector<2x2048xf32>
        %bitcast_convert_type3A = tpu.bitcast %get3A_87 : vector<2x2048xf32> -> vector<2x2048xi32>
        %shift_right_arithmetic3A = arith.constant 31 : i32
        %shift_right_arithmetic3A_88 = vector.broadcast %shift_right_arithmetic3A : i32 to vector<2x2048xi32>
        %shift_right_arithmetic3A_89 = arith.shrsi %bitcast_convert_type3A, %shift_right_arithmetic3A_88 : vector<2x2048xi32>
        %and3A_90 = arith.constant 2147483647 : i32
        %and3A_91 = vector.broadcast %and3A_90 : i32 to vector<2x2048xi32>
        %and3A_92 = arith.andi %shift_right_arithmetic3A_89, %and3A_91 : vector<2x2048xi32>
        %xor3A = arith.xori %bitcast_convert_type3A, %and3A_92 : vector<2x2048xi32>
        %ge3A = arith.constant 0 : i32
        %ge3A_93 = vector.broadcast %ge3A : i32 to vector<2x2048xi32>
        %ge3A_94 = arith.cmpi sge, %xor3A, %ge3A_93 : vector<2x2048xi32>
        %convert_element_type3A_95 = arith.extui %ge3A_94 : vector<2x2048xi1> to vector<2x2048xi32>
        %reduce_sum3A_96 = arith.constant dense<0> : vector<2xi32>
        %reduce_sum3A_97 = vector.multi_reduction <add>, %convert_element_type3A_95, %reduce_sum3A_96 [1] : vector<2x2048xi32> to vector<2xi32>
        %broadcast_in_dim3A_98 = vector.shape_cast %reduce_sum3A_97 : vector<2xi32> to vector<2x1xi32>
        %ge3A_99 = arith.constant 256 : i32
        %ge3A_100 = vector.broadcast %ge3A_99 : i32 to vector<2x1xi32>
        %ge3A_101 = arith.cmpi sge, %broadcast_in_dim3A_98, %ge3A_100 : vector<2x1xi32>
        %jit3A = arith.constant 0 : i32
        %jit3A_102 = arith.constant -2147483648 : i32
        %broadcast_in_dim3A_103 = vector.broadcast %jit3A : i32 to vector<2x1xi32>
        %broadcast_in_dim3A_104 = vector.broadcast %jit3A_102 : i32 to vector<2x1xi32>
        %select_n3A = arith.select %ge3A_101, %broadcast_in_dim3A_103, %broadcast_in_dim3A_104 : vector<2x1xi1>, vector<2x1xi32>
        %broadcast_in_dim3A_105 = arith.constant 0 : i32
        %broadcast_in_dim3A_106 = vector.broadcast %broadcast_in_dim3A_105 : i32 to vector<2x1xi32>
        %scan3A = arith.constant 256 : i32
        %scan3A_107 = arith.constant 0 : i32
        %scan3A_108 = arith.constant 31 : i32
        %scan3A_109 = arith.addi %scan3A_107, %scan3A_108 : i32
        %scan3A_110 = arith.constant 1 : i32
        %scan3A_111 = scf.for %scan3A_304 = %scan3A_107 to %scan3A_109 step %scan3A_110 iter_args(%scan3A_305 = %broadcast_in_dim3A_106) -> (vector<2x1xi32>)  : i32 {
          %sub3A_306 = arith.constant 30 : i32
          %sub3A_307 = arith.subi %sub3A_306, %scan3A_304 : i32
          %shift_left3A = arith.constant 1 : i32
          %shift_left3A_308 = arith.shli %shift_left3A, %sub3A_307 : i32
          %or3A_309 = arith.ori %select_n3A, %scan3A_305 : vector<2x1xi32>
          %or3A_310 = vector.broadcast %shift_left3A_308 : i32 to vector<2x1xi32>
          %or3A_311 = arith.ori %or3A_309, %or3A_310 : vector<2x1xi32>
          %ge3A_312 = vector.broadcast %or3A_311 : vector<2x1xi32> to vector<2x2048xi32>
          %ge3A_313 = arith.cmpi sge, %xor3A, %ge3A_312 : vector<2x2048xi32>
          %convert_element_type3A_314 = arith.extui %ge3A_313 : vector<2x2048xi1> to vector<2x2048xi32>
          %reduce_sum3A_315 = arith.constant dense<0> : vector<2xi32>
          %reduce_sum3A_316 = vector.multi_reduction <add>, %convert_element_type3A_314, %reduce_sum3A_315 [1] : vector<2x2048xi32> to vector<2xi32>
          %broadcast_in_dim3A_317 = vector.shape_cast %reduce_sum3A_316 : vector<2xi32> to vector<2x1xi32>
          %ge3A_318 = vector.broadcast %scan3A : i32 to vector<2x1xi32>
          %ge3A_319 = arith.cmpi sge, %broadcast_in_dim3A_317, %ge3A_318 : vector<2x1xi32>
          %or3A_320 = vector.broadcast %shift_left3A_308 : i32 to vector<2x1xi32>
          %or3A_321 = arith.ori %scan3A_305, %or3A_320 : vector<2x1xi32>
          %select_n3A_322 = arith.select %ge3A_319, %or3A_321, %scan3A_305 : vector<2x1xi1>, vector<2x1xi32>
          scf.yield %select_n3A_322 : vector<2x1xi32>
        }
        %scan3A_112 = arith.constant 31 : i32
        %or3A = arith.ori %select_n3A, %scan3A_111 : vector<2x1xi32>
        %gt3A = vector.broadcast %or3A : vector<2x1xi32> to vector<2x2048xi32>
        %gt3A_113 = arith.cmpi sgt, %xor3A, %gt3A : vector<2x2048xi32>
        %eq3A_114 = vector.broadcast %or3A : vector<2x1xi32> to vector<2x2048xi32>
        %eq3A_115 = arith.cmpi eq, %xor3A, %eq3A_114 : vector<2x2048xi32>
        %convert_element_type3A_116 = arith.extui %gt3A_113 : vector<2x2048xi1> to vector<2x2048xi32>
        %reduce_sum3A_117 = arith.constant dense<0> : vector<2xi32>
        %reduce_sum3A_118 = vector.multi_reduction <add>, %convert_element_type3A_116, %reduce_sum3A_117 [1] : vector<2x2048xi32> to vector<2xi32>
        %broadcast_in_dim3A_119 = vector.shape_cast %reduce_sum3A_118 : vector<2xi32> to vector<2x1xi32>
        %sub3A = arith.constant 256 : i32
        %sub3A_120 = vector.broadcast %sub3A : i32 to vector<2x1xi32>
        %sub3A_121 = arith.subi %sub3A_120, %broadcast_in_dim3A_119 : vector<2x1xi32>
        %convert_element_type3A_122 = arith.extui %eq3A_115 : vector<2x2048xi1> to vector<2x2048xi32>
        %broadcast_in_dim3A_123 = arith.constant 0 : i32
        %broadcast_in_dim3A_124 = vector.broadcast %broadcast_in_dim3A_123 : i32 to vector<2x1xi32>
        %slice3A_125 = vector.extract_strided_slice %convert_element_type3A_122 {offsets = [0, 0], sizes = [2, 2047], strides = [1, 1]} : vector<2x2048xi32> to vector<2x2047xi32>
        %concatenate3A = tpu.concatenate %broadcast_in_dim3A_124, %slice3A_125 in 1 : vector<2x1xi32>, vector<2x2047xi32> -> vector<2x2048xi32>
        %add3A_126 = arith.addi %convert_element_type3A_122, %concatenate3A : vector<2x2048xi32>
        %broadcast_in_dim3A_127 = arith.constant 0 : i32
        %broadcast_in_dim3A_128 = vector.broadcast %broadcast_in_dim3A_127 : i32 to vector<2x2xi32>
        %slice3A_129 = vector.extract_strided_slice %add3A_126 {offsets = [0, 0], sizes = [2, 2046], strides = [1, 1]} : vector<2x2048xi32> to vector<2x2046xi32>
        %concatenate3A_130 = tpu.concatenate %broadcast_in_dim3A_128, %slice3A_129 in 1 : vector<2x2xi32>, vector<2x2046xi32> -> vector<2x2048xi32>
        %add3A_131 = arith.addi %add3A_126, %concatenate3A_130 : vector<2x2048xi32>
        %broadcast_in_dim3A_132 = arith.constant 0 : i32
        %broadcast_in_dim3A_133 = vector.broadcast %broadcast_in_dim3A_132 : i32 to vector<2x4xi32>
        %slice3A_134 = vector.extract_strided_slice %add3A_131 {offsets = [0, 0], sizes = [2, 2044], strides = [1, 1]} : vector<2x2048xi32> to vector<2x2044xi32>
        %concatenate3A_135 = tpu.concatenate %broadcast_in_dim3A_133, %slice3A_134 in 1 : vector<2x4xi32>, vector<2x2044xi32> -> vector<2x2048xi32>
        %add3A_136 = arith.addi %add3A_131, %concatenate3A_135 : vector<2x2048xi32>
        %broadcast_in_dim3A_137 = arith.constant 0 : i32
        %broadcast_in_dim3A_138 = vector.broadcast %broadcast_in_dim3A_137 : i32 to vector<2x8xi32>
        %slice3A_139 = vector.extract_strided_slice %add3A_136 {offsets = [0, 0], sizes = [2, 2040], strides = [1, 1]} : vector<2x2048xi32> to vector<2x2040xi32>
        %concatenate3A_140 = tpu.concatenate %broadcast_in_dim3A_138, %slice3A_139 in 1 : vector<2x8xi32>, vector<2x2040xi32> -> vector<2x2048xi32>
        %add3A_141 = arith.addi %add3A_136, %concatenate3A_140 : vector<2x2048xi32>
        %broadcast_in_dim3A_142 = arith.constant 0 : i32
        %broadcast_in_dim3A_143 = vector.broadcast %broadcast_in_dim3A_142 : i32 to vector<2x16xi32>
        %slice3A_144 = vector.extract_strided_slice %add3A_141 {offsets = [0, 0], sizes = [2, 2032], strides = [1, 1]} : vector<2x2048xi32> to vector<2x2032xi32>
        %concatenate3A_145 = tpu.concatenate %broadcast_in_dim3A_143, %slice3A_144 in 1 : vector<2x16xi32>, vector<2x2032xi32> -> vector<2x2048xi32>
        %add3A_146 = arith.addi %add3A_141, %concatenate3A_145 : vector<2x2048xi32>
        %broadcast_in_dim3A_147 = arith.constant 0 : i32
        %broadcast_in_dim3A_148 = vector.broadcast %broadcast_in_dim3A_147 : i32 to vector<2x32xi32>
        %slice3A_149 = vector.extract_strided_slice %add3A_146 {offsets = [0, 0], sizes = [2, 2016], strides = [1, 1]} : vector<2x2048xi32> to vector<2x2016xi32>
        %concatenate3A_150 = tpu.concatenate %broadcast_in_dim3A_148, %slice3A_149 in 1 : vector<2x32xi32>, vector<2x2016xi32> -> vector<2x2048xi32>
        %add3A_151 = arith.addi %add3A_146, %concatenate3A_150 : vector<2x2048xi32>
        %broadcast_in_dim3A_152 = arith.constant 0 : i32
        %broadcast_in_dim3A_153 = vector.broadcast %broadcast_in_dim3A_152 : i32 to vector<2x64xi32>
        %slice3A_154 = vector.extract_strided_slice %add3A_151 {offsets = [0, 0], sizes = [2, 1984], strides = [1, 1]} : vector<2x2048xi32> to vector<2x1984xi32>
        %concatenate3A_155 = tpu.concatenate %broadcast_in_dim3A_153, %slice3A_154 in 1 : vector<2x64xi32>, vector<2x1984xi32> -> vector<2x2048xi32>
        %add3A_156 = arith.addi %add3A_151, %concatenate3A_155 : vector<2x2048xi32>
        %broadcast_in_dim3A_157 = arith.constant 0 : i32
        %broadcast_in_dim3A_158 = vector.broadcast %broadcast_in_dim3A_157 : i32 to vector<2x128xi32>
        %slice3A_159 = vector.extract_strided_slice %add3A_156 {offsets = [0, 0], sizes = [2, 1920], strides = [1, 1]} : vector<2x2048xi32> to vector<2x1920xi32>
        %concatenate3A_160 = tpu.concatenate %broadcast_in_dim3A_158, %slice3A_159 in 1 : vector<2x128xi32>, vector<2x1920xi32> -> vector<2x2048xi32>
        %add3A_161 = arith.addi %add3A_156, %concatenate3A_160 : vector<2x2048xi32>
        %broadcast_in_dim3A_162 = arith.constant 0 : i32
        %broadcast_in_dim3A_163 = vector.broadcast %broadcast_in_dim3A_162 : i32 to vector<2x256xi32>
        %slice3A_164 = vector.extract_strided_slice %add3A_161 {offsets = [0, 0], sizes = [2, 1792], strides = [1, 1]} : vector<2x2048xi32> to vector<2x1792xi32>
        %concatenate3A_165 = tpu.concatenate %broadcast_in_dim3A_163, %slice3A_164 in 1 : vector<2x256xi32>, vector<2x1792xi32> -> vector<2x2048xi32>
        %add3A_166 = arith.addi %add3A_161, %concatenate3A_165 : vector<2x2048xi32>
        %broadcast_in_dim3A_167 = arith.constant 0 : i32
        %broadcast_in_dim3A_168 = vector.broadcast %broadcast_in_dim3A_167 : i32 to vector<2x512xi32>
        %slice3A_169 = vector.extract_strided_slice %add3A_166 {offsets = [0, 0], sizes = [2, 1536], strides = [1, 1]} : vector<2x2048xi32> to vector<2x1536xi32>
        %concatenate3A_170 = tpu.concatenate %broadcast_in_dim3A_168, %slice3A_169 in 1 : vector<2x512xi32>, vector<2x1536xi32> -> vector<2x2048xi32>
        %add3A_171 = arith.addi %add3A_166, %concatenate3A_170 : vector<2x2048xi32>
        %broadcast_in_dim3A_172 = arith.constant 0 : i32
        %broadcast_in_dim3A_173 = vector.broadcast %broadcast_in_dim3A_172 : i32 to vector<2x1024xi32>
        %slice3A_174 = vector.extract_strided_slice %add3A_171 {offsets = [0, 0], sizes = [2, 1024], strides = [1, 1]} : vector<2x2048xi32> to vector<2x1024xi32>
        %concatenate3A_175 = tpu.concatenate %broadcast_in_dim3A_173, %slice3A_174 in 1 : vector<2x1024xi32>, vector<2x1024xi32> -> vector<2x2048xi32>
        %add3A_176 = arith.addi %add3A_171, %concatenate3A_175 : vector<2x2048xi32>
        %le3A = vector.broadcast %sub3A_121 : vector<2x1xi32> to vector<2x2048xi32>
        %le3A_177 = arith.cmpi sle, %add3A_176, %le3A : vector<2x2048xi32>
        %and3A_178 = arith.andi %eq3A_115, %le3A_177 : vector<2x2048xi1>
        %or3A_179 = arith.ori %gt3A_113, %and3A_178 : vector<2x2048xi1>
        %convert_element_type3A_180 = arith.extui %or3A_179 : vector<2x2048xi1> to vector<2x2048xi32>
        %broadcast_in_dim3A_181 = arith.constant 0 : i32
        %broadcast_in_dim3A_182 = vector.broadcast %broadcast_in_dim3A_181 : i32 to vector<2x1xi32>
        %slice3A_183 = vector.extract_strided_slice %convert_element_type3A_180 {offsets = [0, 0], sizes = [2, 2047], strides = [1, 1]} : vector<2x2048xi32> to vector<2x2047xi32>
        %concatenate3A_184 = tpu.concatenate %broadcast_in_dim3A_182, %slice3A_183 in 1 : vector<2x1xi32>, vector<2x2047xi32> -> vector<2x2048xi32>
        %add3A_185 = arith.addi %convert_element_type3A_180, %concatenate3A_184 : vector<2x2048xi32>
        %broadcast_in_dim3A_186 = arith.constant 0 : i32
        %broadcast_in_dim3A_187 = vector.broadcast %broadcast_in_dim3A_186 : i32 to vector<2x2xi32>
        %slice3A_188 = vector.extract_strided_slice %add3A_185 {offsets = [0, 0], sizes = [2, 2046], strides = [1, 1]} : vector<2x2048xi32> to vector<2x2046xi32>
        %concatenate3A_189 = tpu.concatenate %broadcast_in_dim3A_187, %slice3A_188 in 1 : vector<2x2xi32>, vector<2x2046xi32> -> vector<2x2048xi32>
        %add3A_190 = arith.addi %add3A_185, %concatenate3A_189 : vector<2x2048xi32>
        %broadcast_in_dim3A_191 = arith.constant 0 : i32
        %broadcast_in_dim3A_192 = vector.broadcast %broadcast_in_dim3A_191 : i32 to vector<2x4xi32>
        %slice3A_193 = vector.extract_strided_slice %add3A_190 {offsets = [0, 0], sizes = [2, 2044], strides = [1, 1]} : vector<2x2048xi32> to vector<2x2044xi32>
        %concatenate3A_194 = tpu.concatenate %broadcast_in_dim3A_192, %slice3A_193 in 1 : vector<2x4xi32>, vector<2x2044xi32> -> vector<2x2048xi32>
        %add3A_195 = arith.addi %add3A_190, %concatenate3A_194 : vector<2x2048xi32>
        %broadcast_in_dim3A_196 = arith.constant 0 : i32
        %broadcast_in_dim3A_197 = vector.broadcast %broadcast_in_dim3A_196 : i32 to vector<2x8xi32>
        %slice3A_198 = vector.extract_strided_slice %add3A_195 {offsets = [0, 0], sizes = [2, 2040], strides = [1, 1]} : vector<2x2048xi32> to vector<2x2040xi32>
        %concatenate3A_199 = tpu.concatenate %broadcast_in_dim3A_197, %slice3A_198 in 1 : vector<2x8xi32>, vector<2x2040xi32> -> vector<2x2048xi32>
        %add3A_200 = arith.addi %add3A_195, %concatenate3A_199 : vector<2x2048xi32>
        %broadcast_in_dim3A_201 = arith.constant 0 : i32
        %broadcast_in_dim3A_202 = vector.broadcast %broadcast_in_dim3A_201 : i32 to vector<2x16xi32>
        %slice3A_203 = vector.extract_strided_slice %add3A_200 {offsets = [0, 0], sizes = [2, 2032], strides = [1, 1]} : vector<2x2048xi32> to vector<2x2032xi32>
        %concatenate3A_204 = tpu.concatenate %broadcast_in_dim3A_202, %slice3A_203 in 1 : vector<2x16xi32>, vector<2x2032xi32> -> vector<2x2048xi32>
        %add3A_205 = arith.addi %add3A_200, %concatenate3A_204 : vector<2x2048xi32>
        %broadcast_in_dim3A_206 = arith.constant 0 : i32
        %broadcast_in_dim3A_207 = vector.broadcast %broadcast_in_dim3A_206 : i32 to vector<2x32xi32>
        %slice3A_208 = vector.extract_strided_slice %add3A_205 {offsets = [0, 0], sizes = [2, 2016], strides = [1, 1]} : vector<2x2048xi32> to vector<2x2016xi32>
        %concatenate3A_209 = tpu.concatenate %broadcast_in_dim3A_207, %slice3A_208 in 1 : vector<2x32xi32>, vector<2x2016xi32> -> vector<2x2048xi32>
        %add3A_210 = arith.addi %add3A_205, %concatenate3A_209 : vector<2x2048xi32>
        %broadcast_in_dim3A_211 = arith.constant 0 : i32
        %broadcast_in_dim3A_212 = vector.broadcast %broadcast_in_dim3A_211 : i32 to vector<2x64xi32>
        %slice3A_213 = vector.extract_strided_slice %add3A_210 {offsets = [0, 0], sizes = [2, 1984], strides = [1, 1]} : vector<2x2048xi32> to vector<2x1984xi32>
        %concatenate3A_214 = tpu.concatenate %broadcast_in_dim3A_212, %slice3A_213 in 1 : vector<2x64xi32>, vector<2x1984xi32> -> vector<2x2048xi32>
        %add3A_215 = arith.addi %add3A_210, %concatenate3A_214 : vector<2x2048xi32>
        %broadcast_in_dim3A_216 = arith.constant 0 : i32
        %broadcast_in_dim3A_217 = vector.broadcast %broadcast_in_dim3A_216 : i32 to vector<2x128xi32>
        %slice3A_218 = vector.extract_strided_slice %add3A_215 {offsets = [0, 0], sizes = [2, 1920], strides = [1, 1]} : vector<2x2048xi32> to vector<2x1920xi32>
        %concatenate3A_219 = tpu.concatenate %broadcast_in_dim3A_217, %slice3A_218 in 1 : vector<2x128xi32>, vector<2x1920xi32> -> vector<2x2048xi32>
        %add3A_220 = arith.addi %add3A_215, %concatenate3A_219 : vector<2x2048xi32>
        %broadcast_in_dim3A_221 = arith.constant 0 : i32
        %broadcast_in_dim3A_222 = vector.broadcast %broadcast_in_dim3A_221 : i32 to vector<2x256xi32>
        %slice3A_223 = vector.extract_strided_slice %add3A_220 {offsets = [0, 0], sizes = [2, 1792], strides = [1, 1]} : vector<2x2048xi32> to vector<2x1792xi32>
        %concatenate3A_224 = tpu.concatenate %broadcast_in_dim3A_222, %slice3A_223 in 1 : vector<2x256xi32>, vector<2x1792xi32> -> vector<2x2048xi32>
        %add3A_225 = arith.addi %add3A_220, %concatenate3A_224 : vector<2x2048xi32>
        %broadcast_in_dim3A_226 = arith.constant 0 : i32
        %broadcast_in_dim3A_227 = vector.broadcast %broadcast_in_dim3A_226 : i32 to vector<2x512xi32>
        %slice3A_228 = vector.extract_strided_slice %add3A_225 {offsets = [0, 0], sizes = [2, 1536], strides = [1, 1]} : vector<2x2048xi32> to vector<2x1536xi32>
        %concatenate3A_229 = tpu.concatenate %broadcast_in_dim3A_227, %slice3A_228 in 1 : vector<2x512xi32>, vector<2x1536xi32> -> vector<2x2048xi32>
        %add3A_230 = arith.addi %add3A_225, %concatenate3A_229 : vector<2x2048xi32>
        %broadcast_in_dim3A_231 = arith.constant 0 : i32
        %broadcast_in_dim3A_232 = vector.broadcast %broadcast_in_dim3A_231 : i32 to vector<2x1024xi32>
        %slice3A_233 = vector.extract_strided_slice %add3A_230 {offsets = [0, 0], sizes = [2, 1024], strides = [1, 1]} : vector<2x2048xi32> to vector<2x1024xi32>
        %concatenate3A_234 = tpu.concatenate %broadcast_in_dim3A_232, %slice3A_233 in 1 : vector<2x1024xi32>, vector<2x1024xi32> -> vector<2x2048xi32>
        %add3A_235 = arith.addi %add3A_230, %concatenate3A_234 : vector<2x2048xi32>
        %sub3A_236 = arith.constant 1 : i32
        %sub3A_237 = vector.broadcast %sub3A_236 : i32 to vector<2x2048xi32>
        %sub3A_238 = arith.subi %add3A_235, %sub3A_237 : vector<2x2048xi32>
        %iota3A = tpu.iota {dimensions = array<i32: 1>} : vector<1x2048xi32>
        %shift_right_arithmetic3A_239 = arith.constant 8 : i32
        %shift_right_arithmetic3A_240 = vector.broadcast %shift_right_arithmetic3A_239 : i32 to vector<1x2048xi32>
        %shift_right_arithmetic3A_241 = arith.shrsi %iota3A, %shift_right_arithmetic3A_240 : vector<1x2048xi32>
        %convert_element_type3A_242 = arith.sitofp %shift_right_arithmetic3A_241 : vector<1x2048xi32> to vector<1x2048xf32>
        %and3A_243 = arith.constant 255 : i32
        %and3A_244 = vector.broadcast %and3A_243 : i32 to vector<1x2048xi32>
        %and3A_245 = arith.andi %iota3A, %and3A_244 : vector<1x2048xi32>
        %convert_element_type3A_246 = arith.sitofp %and3A_245 : vector<1x2048xi32> to vector<1x2048xf32>
        %concatenate3A_247 = tpu.concatenate %convert_element_type3A_242, %convert_element_type3A_246 in 0 : vector<1x2048xf32>, vector<1x2048xf32> -> vector<2x2048xf32>
        %iota3A_248 = tpu.iota {dimensions = array<i32: 0>} : vector<256x2048xi32>
        %slice3A_249 = vector.extract_strided_slice %or3A_179 {offsets = [0, 0], sizes = [1, 2048], strides = [1, 1]} : vector<2x2048xi1> to vector<1x2048xi1>
        %broadcast_in_dim3A_250 = vector.shape_cast %slice3A_249 : vector<1x2048xi1> to vector<1x2048xi1>
        %broadcast_in_dim3A_251 = vector.broadcast %broadcast_in_dim3A_250 : vector<1x2048xi1> to vector<256x2048xi1>
        %slice3A_252 = vector.extract_strided_slice %sub3A_238 {offsets = [0, 0], sizes = [1, 2048], strides = [1, 1]} : vector<2x2048xi32> to vector<1x2048xi32>
        %broadcast_in_dim3A_253 = vector.shape_cast %slice3A_252 : vector<1x2048xi32> to vector<1x2048xi32>
        %broadcast_in_dim3A_254 = vector.broadcast %broadcast_in_dim3A_253 : vector<1x2048xi32> to vector<256x2048xi32>
        %eq3A_255 = arith.cmpi eq, %broadcast_in_dim3A_254, %iota3A_248 : vector<256x2048xi32>
        %and3A_256 = arith.andi %broadcast_in_dim3A_251, %eq3A_255 : vector<256x2048xi1>
        %convert_element_type3A_257 = arith.extui %and3A_256 : vector<256x2048xi1> to vector<256x2048xi32>
        %convert_element_type3A_258 = arith.sitofp %convert_element_type3A_257 : vector<256x2048xi32> to vector<256x2048xf32>
        %dot_general3A_259 = arith.constant dense<0.000000e+00> : vector<2x256xf32>
        %dot_general3A_260 = tpu.matmul %concatenate3A_247, %convert_element_type3A_258, %dot_general3A_259 {dimension_numbers = #tpu.dot_dimension_numbers<[1], [1], [0], [0], [0, 0, 1, 0], [], []>, transpose_lhs_hint = false} : vector<2x2048xf32>, vector<256x2048xf32>, vector<2x256xf32> -> vector<2x256xf32>
        %slice3A_261 = vector.extract_strided_slice %dot_general3A_260 {offsets = [0, 0], sizes = [1, 256], strides = [1, 1]} : vector<2x256xf32> to vector<1x256xf32>
        %mul3A_262 = arith.constant 2.560000e+02 : f32
        %mul3A_263 = vector.broadcast %mul3A_262 : f32 to vector<1x256xf32>
        %mul3A_264 = arith.mulf %slice3A_261, %mul3A_263 : vector<1x256xf32>
        %slice3A_265 = vector.extract_strided_slice %dot_general3A_260 {offsets = [1, 0], sizes = [1, 256], strides = [1, 1]} : vector<2x256xf32> to vector<1x256xf32>
        %add3A_266 = arith.addf %mul3A_264, %slice3A_265 : vector<1x256xf32>
        %swap3A = arith.constant 0 : index
        %swap3A_267 = arith.constant 0 : index
        %swap3A_268 = vector.load %arg8[%swap3A, %swap3A_267] : memref<2x256xf32, #tpu.memory_space<vmem>>, vector<1x256xf32>
        tpu.vector_store %arg8[%swap3A, %swap3A_267], %add3A_266 {strides = array<i32>} : memref<2x256xf32, #tpu.memory_space<vmem>>, vector<1x256xf32>,
        %convert_element_type3A_269 = arith.fptosi %add3A_266 : vector<1x256xf32> to vector<1x256xi32>
        %add3A_270 = arith.constant 0 : i32
        %add3A_271 = vector.broadcast %add3A_270 : i32 to vector<1x256xi32>
        %add3A_272 = arith.addi %convert_element_type3A_269, %add3A_271 : vector<1x256xi32>
        %swap3A_273 = arith.constant 0 : index
        %swap3A_274 = arith.constant 0 : index
        %swap3A_275 = vector.load %arg7[%swap3A_273, %swap3A_274] : memref<2x256xi32, #tpu.memory_space<vmem>>, vector<1x256xi32>
        tpu.vector_store %arg7[%swap3A_273, %swap3A_274], %add3A_272 {strides = array<i32>} : memref<2x256xi32, #tpu.memory_space<vmem>>, vector<1x256xi32>,
        %slice3A_276 = vector.extract_strided_slice %or3A_179 {offsets = [1, 0], sizes = [1, 2048], strides = [1, 1]} : vector<2x2048xi1> to vector<1x2048xi1>
        %broadcast_in_dim3A_277 = vector.shape_cast %slice3A_276 : vector<1x2048xi1> to vector<1x2048xi1>
        %broadcast_in_dim3A_278 = vector.broadcast %broadcast_in_dim3A_277 : vector<1x2048xi1> to vector<256x2048xi1>
        %slice3A_279 = vector.extract_strided_slice %sub3A_238 {offsets = [1, 0], sizes = [1, 2048], strides = [1, 1]} : vector<2x2048xi32> to vector<1x2048xi32>
        %broadcast_in_dim3A_280 = vector.shape_cast %slice3A_279 : vector<1x2048xi32> to vector<1x2048xi32>
        %broadcast_in_dim3A_281 = vector.broadcast %broadcast_in_dim3A_280 : vector<1x2048xi32> to vector<256x2048xi32>
        %eq3A_282 = arith.cmpi eq, %broadcast_in_dim3A_281, %iota3A_248 : vector<256x2048xi32>
        %and3A_283 = arith.andi %broadcast_in_dim3A_278, %eq3A_282 : vector<256x2048xi1>
        %convert_element_type3A_284 = arith.extui %and3A_283 : vector<256x2048xi1> to vector<256x2048xi32>
        %convert_element_type3A_285 = arith.sitofp %convert_element_type3A_284 : vector<256x2048xi32> to vector<256x2048xf32>
        %dot_general3A_286 = arith.constant dense<0.000000e+00> : vector<2x256xf32>
        %dot_general3A_287 = tpu.matmul %concatenate3A_247, %convert_element_type3A_285, %dot_general3A_286 {dimension_numbers = #tpu.dot_dimension_numbers<[1], [1], [0], [0], [0, 0, 1, 0], [], []>, transpose_lhs_hint = false} : vector<2x2048xf32>, vector<256x2048xf32>, vector<2x256xf32> -> vector<2x256xf32>
        %slice3A_288 = vector.extract_strided_slice %dot_general3A_287 {offsets = [0, 0], sizes = [1, 256], strides = [1, 1]} : vector<2x256xf32> to vector<1x256xf32>
        %mul3A_289 = arith.constant 2.560000e+02 : f32
        %mul3A_290 = vector.broadcast %mul3A_289 : f32 to vector<1x256xf32>
        %mul3A_291 = arith.mulf %slice3A_288, %mul3A_290 : vector<1x256xf32>
        %slice3A_292 = vector.extract_strided_slice %dot_general3A_287 {offsets = [1, 0], sizes = [1, 256], strides = [1, 1]} : vector<2x256xf32> to vector<1x256xf32>
        %add3A_293 = arith.addf %mul3A_291, %slice3A_292 : vector<1x256xf32>
        %swap3A_294 = arith.constant 1 : index
        %swap3A_295 = arith.constant 0 : index
        %swap3A_296 = vector.load %arg8[%swap3A_294, %swap3A_295] : memref<2x256xf32, #tpu.memory_space<vmem>>, vector<1x256xf32>
        tpu.vector_store %arg8[%swap3A_294, %swap3A_295], %add3A_293 {strides = array<i32>} : memref<2x256xf32, #tpu.memory_space<vmem>>, vector<1x256xf32>,
        %convert_element_type3A_297 = arith.fptosi %add3A_293 : vector<1x256xf32> to vector<1x256xi32>
        %add3A_298 = arith.constant 2048 : i32
        %add3A_299 = vector.broadcast %add3A_298 : i32 to vector<1x256xi32>
        %add3A_300 = arith.addi %convert_element_type3A_297, %add3A_299 : vector<1x256xi32>
        %swap3A_301 = arith.constant 1 : index
        %swap3A_302 = arith.constant 0 : index
        %swap3A_303 = vector.load %arg7[%swap3A_301, %swap3A_302] : memref<2x256xi32, #tpu.memory_space<vmem>>, vector<1x256xi32>
        tpu.vector_store %arg7[%swap3A_301, %swap3A_302], %add3A_300 {strides = array<i32>} : memref<2x256xi32, #tpu.memory_space<vmem>>, vector<1x256xi32>,
      } else {
      }
    } else {
    }
    return
  }
  func.func @transform_0(%arg0: i32, %arg1: i32, %arg2: i32) -> (i32, i32, i32) {
    %sub3A = arith.constant 1 : i32
    %sub3A_0 = arith.subi %sub3A, %arg1 : i32
    %mul3A = arith.muli %arg2, %sub3A_0 : i32
    %c0_i32 = arith.constant 0 : i32
    %c0_i32_1 = arith.constant 0 : i32
    return %arg0, %mul3A, %c0_i32 : i32, i32, i32
  }
  func.func @transform_1(%arg0: i32, %arg1: i32, %arg2: i32) -> (i32, i32) {
    %c0_i32 = arith.constant 0 : i32
    %c0_i32_0 = arith.constant 0 : i32
    %c0_i32_1 = arith.constant 0 : i32
    return %c0_i32, %c0_i32_0 : i32, i32
  }
  func.func @transform_2(%arg0: i32, %arg1: i32, %arg2: i32) -> (i32, i32) {
    %c0_i32 = arith.constant 0 : i32
    %c0_i32_0 = arith.constant 0 : i32
    %c0_i32_1 = arith.constant 0 : i32
    return %c0_i32, %c0_i32_0 : i32, i32
  }
  func.func @transform_3(%arg0: i32, %arg1: i32, %arg2: i32) -> i32 {
    %c0_i32 = arith.constant 0 : i32
    %c0_i32_0 = arith.constant 0 : i32
    return %c0_i32 : i32
  }
  func.func @transform_4(%arg0: i32, %arg1: i32, %arg2: i32) -> (i32, i32) {
    %c0_i32 = arith.constant 0 : i32
    %c0_i32_0 = arith.constant 0 : i32
    %c0_i32_1 = arith.constant 0 : i32
    return %c0_i32, %c0_i32_0 : i32, i32
  }
  func.func @transform_5(%arg0: i32, %arg1: i32, %arg2: i32) -> (i32, i32) {
    %c0_i32 = arith.constant 0 : i32
    %c0_i32_0 = arith.constant 0 : i32
    %c0_i32_1 = arith.constant 0 : i32
    return %c0_i32, %c0_i32_0 : i32, i32
  }
}

module attributes {stable_mosaic.version = 14 : i64} {
  func.func @_attn_body(%arg0: i32, %arg1: i32, %arg2: memref<1x1024x1024xbf16, #tpu.memory_space<vmem>>, %arg3: memref<1024x1024xbf16, #tpu.memory_space<vmem>>, %arg4: memref<1x1024xf32, #tpu.memory_space<vmem>>, %arg5: memref<1x256x1024xf32, #tpu.memory_space<vmem>>, %arg6: memref<1x256x1xf32, #tpu.memory_space<vmem>>, %arg7: memref<1024x2048xbf16, #tpu.memory_space<vmem>>, %arg8: memref<1x2048xf32, #tpu.memory_space<vmem>>, %arg9: memref<1024x1024xbf16, #tpu.memory_space<vmem>>, %arg10: memref<1x1024xf32, #tpu.memory_space<vmem>>, %arg11: memref<1x1024x1024xf32, #tpu.memory_space<vmem>>, %arg12: memref<256x1024xbf16, #tpu.memory_space<vmem>>, %arg13: memref<256x1024xbf16, #tpu.memory_space<vmem>>) attributes {dimension_semantics = [#tpu.dimension_semantics<arbitrary>, #tpu.dimension_semantics<arbitrary>], iteration_bounds = array<i64: 2, 2>, scalar_prefetch = 0 : i64, scratch_operands = 2 : i64, tpu.core_type = #tpu.core_type<tc>, window_params = [{transform_indices = @transform_0, window_bounds = array<i64: 1, 1024, 1024>}, {pipeline_mode = #tpu.pipeline_mode<synchronous>, transform_indices = @transform_1, window_bounds = array<i64: 1024, 1024>}, {pipeline_mode = #tpu.pipeline_mode<synchronous>, transform_indices = @transform_2, window_bounds = array<i64: 1, 1024>}, {transform_indices = @transform_3, window_bounds = array<i64: 1, 256, 1024>}, {transform_indices = @transform_4, window_bounds = array<i64: 1, 256, 1>}, {pipeline_mode = #tpu.pipeline_mode<synchronous>, transform_indices = @transform_5, window_bounds = array<i64: 1024, 2048>}, {pipeline_mode = #tpu.pipeline_mode<synchronous>, transform_indices = @transform_6, window_bounds = array<i64: 1, 2048>}, {pipeline_mode = #tpu.pipeline_mode<synchronous>, transform_indices = @transform_7, window_bounds = array<i64: 1024, 1024>}, {pipeline_mode = #tpu.pipeline_mode<synchronous>, transform_indices = @transform_8, window_bounds = array<i64: 1, 1024>}, {transform_indices = @transform_9, window_bounds = array<i64: 1, 1024, 1024>}]} {
    %eq3A = arith.constant 0 : i32
    %eq3A_0 = arith.cmpi eq, %arg1, %eq3A : i32
    %convert_element_type3A = arith.extui %eq3A_0 : i1 to i32
    %cond3A = arith.constant 0 : i32
    %cond3A_1 = arith.cmpi ne, %convert_element_type3A, %cond3A : i32
    scf.if %cond3A_1 {
      %get3A_69 = arith.constant 0 : index
      %get3A_70 = arith.constant 0 : index
      %get3A_71 = arith.constant 0 : index
      %get3A_72 = vector.load %arg5[%get3A_69, %get3A_70, %get3A_71] : memref<1x256x1024xf32, #tpu.memory_space<vmem>>, vector<1x256x1024xf32>
      %get3A_73 = vector.shape_cast %get3A_72 : vector<1x256x1024xf32> to vector<256x1024xf32>
      %convert_element_type3A_74 = arith.truncf %get3A_73 : vector<256x1024xf32> to vector<256x1024xbf16>
      %get3A_75 = arith.constant 0 : index
      %get3A_76 = arith.constant 0 : index
      %get3A_77 = vector.load %arg7[%get3A_75, %get3A_76] : memref<1024x2048xbf16, #tpu.memory_space<vmem>>, vector<1024x2048xbf16>
      %dot_general3A_78 = arith.constant dense<0.000000e+00> : vector<256x2048xf32>
      %dot_general3A_79 = tpu.matmul %convert_element_type3A_74, %get3A_77, %dot_general3A_78 {dimension_numbers = #tpu.dot_dimension_numbers<[1], [0], [0], [1], [0, 0, 1, 1], [], []>, transpose_lhs_hint = false} : vector<256x1024xbf16>, vector<1024x2048xbf16>, vector<256x2048xf32> -> vector<256x2048xf32>
      %get3A_80 = arith.constant 0 : index
      %get3A_81 = arith.constant 0 : index
      %get3A_82 = vector.load %arg8[%get3A_80, %get3A_81] : memref<1x2048xf32, #tpu.memory_space<vmem>>, vector<1x2048xf32>
      %add3A_83 = vector.broadcast %get3A_82 : vector<1x2048xf32> to vector<256x2048xf32>
      %add3A_84 = arith.addf %dot_general3A_79, %add3A_83 : vector<256x2048xf32>
      %get3A_85 = arith.constant 0 : index
      %get3A_86 = arith.constant 0 : index
      %get3A_87 = arith.constant 0 : index
      %get3A_88 = vector.load %arg6[%get3A_85, %get3A_86, %get3A_87] : memref<1x256x1xf32, #tpu.memory_space<vmem>>, vector<1x256x1xf32>
      %get3A_89 = vector.shape_cast %get3A_88 : vector<1x256x1xf32> to vector<256x1xf32>
      %iota3A_90 = tpu.iota {dimensions = array<i32: 1>} : vector<256x512xi32>
      %convert_element_type3A_91 = arith.sitofp %iota3A_90 : vector<256x512xi32> to vector<256x512xf32>
      %mul3A_92 = arith.constant -0.0179889463 : f32
      %mul3A_93 = vector.broadcast %mul3A_92 : f32 to vector<256x512xf32>
      %mul3A_94 = arith.mulf %convert_element_type3A_91, %mul3A_93 : vector<256x512xf32>
      %exp3A_95 = math.exp %mul3A_94 : vector<256x512xf32>
      %mul3A_96 = vector.broadcast %get3A_89 : vector<256x1xf32> to vector<256x512xf32>
      %mul3A_97 = arith.mulf %mul3A_96, %exp3A_95 : vector<256x512xf32>
      %cos3A_98 = math.cos %mul3A_97 : vector<256x512xf32>
      %sin3A_99 = math.sin %mul3A_97 : vector<256x512xf32>
      %slice3A_100 = vector.extract_strided_slice %add3A_84 {offsets = [0, 0], sizes = [256, 1024], strides = [1, 1]} : vector<256x2048xf32> to vector<256x1024xf32>
      %slice3A_101 = vector.extract_strided_slice %slice3A_100 {offsets = [0, 0], sizes = [256, 512], strides = [1, 1]} : vector<256x1024xf32> to vector<256x512xf32>
      %slice3A_102 = vector.extract_strided_slice %slice3A_100 {offsets = [0, 512], sizes = [256, 512], strides = [1, 1]} : vector<256x1024xf32> to vector<256x512xf32>
      %mul3A_103 = arith.mulf %slice3A_101, %cos3A_98 : vector<256x512xf32>
      %mul3A_104 = arith.mulf %slice3A_102, %sin3A_99 : vector<256x512xf32>
      %sub3A_105 = arith.subf %mul3A_103, %mul3A_104 : vector<256x512xf32>
      %mul3A_106 = arith.mulf %slice3A_101, %sin3A_99 : vector<256x512xf32>
      %mul3A_107 = arith.mulf %slice3A_102, %cos3A_98 : vector<256x512xf32>
      %add3A_108 = arith.addf %mul3A_106, %mul3A_107 : vector<256x512xf32>
      %concatenate3A_109 = tpu.concatenate %sub3A_105, %add3A_108 in 1 : vector<256x512xf32>, vector<256x512xf32> -> vector<256x1024xf32>
      %convert_element_type3A_110 = arith.truncf %concatenate3A_109 : vector<256x1024xf32> to vector<256x1024xbf16>
      %swap3A_111 = arith.constant 0 : index
      %swap3A_112 = arith.constant 0 : index
      %swap3A_113 = vector.load %arg12[%swap3A_111, %swap3A_112] : memref<256x1024xbf16, #tpu.memory_space<vmem>>, vector<256x1024xbf16>
      tpu.vector_store %arg12[%swap3A_111, %swap3A_112], %convert_element_type3A_110 {strides = array<i32>} : memref<256x1024xbf16, #tpu.memory_space<vmem>>, vector<256x1024xbf16>,
      %slice3A_114 = vector.extract_strided_slice %add3A_84 {offsets = [0, 1024], sizes = [256, 1024], strides = [1, 1]} : vector<256x2048xf32> to vector<256x1024xf32>
      %convert_element_type3A_115 = arith.truncf %slice3A_114 : vector<256x1024xf32> to vector<256x1024xbf16>
      %swap3A_116 = arith.constant 0 : index
      %swap3A_117 = arith.constant 0 : index
      %swap3A_118 = vector.load %arg13[%swap3A_116, %swap3A_117] : memref<256x1024xbf16, #tpu.memory_space<vmem>>, vector<256x1024xbf16>
      tpu.vector_store %arg13[%swap3A_116, %swap3A_117], %convert_element_type3A_115 {strides = array<i32>} : memref<256x1024xbf16, #tpu.memory_space<vmem>>, vector<256x1024xbf16>,
    } else {
    }
    %get3A = arith.constant 0 : index
    %get3A_2 = arith.constant 0 : index
    %get3A_3 = arith.constant 0 : index
    %get3A_4 = vector.load %arg2[%get3A, %get3A_2, %get3A_3] : memref<1x1024x1024xbf16, #tpu.memory_space<vmem>>, vector<1x1024x1024xbf16>
    %get3A_5 = vector.shape_cast %get3A_4 : vector<1x1024x1024xbf16> to vector<1024x1024xbf16>
    %get3A_6 = arith.constant 0 : index
    %get3A_7 = arith.constant 0 : index
    %get3A_8 = vector.load %arg3[%get3A_6, %get3A_7] : memref<1024x1024xbf16, #tpu.memory_space<vmem>>, vector<1024x1024xbf16>
    %dot_general3A = arith.constant dense<0.000000e+00> : vector<1024x1024xf32>
    %dot_general3A_9 = tpu.matmul %get3A_5, %get3A_8, %dot_general3A {dimension_numbers = #tpu.dot_dimension_numbers<[1], [0], [0], [1], [0, 0, 1, 1], [], []>, transpose_lhs_hint = false} : vector<1024x1024xbf16>, vector<1024x1024xbf16>, vector<1024x1024xf32> -> vector<1024x1024xf32>
    %get3A_10 = arith.constant 0 : index
    %get3A_11 = arith.constant 0 : index
    %get3A_12 = vector.load %arg4[%get3A_10, %get3A_11] : memref<1x1024xf32, #tpu.memory_space<vmem>>, vector<1x1024xf32>
    %add3A = vector.broadcast %get3A_12 : vector<1x1024xf32> to vector<1024x1024xf32>
    %add3A_13 = arith.addf %dot_general3A_9, %add3A : vector<1024x1024xf32>
    %iota3A = tpu.iota {dimensions = array<i32: 0>} : vector<1024x1xi32>
    %mul3A = arith.constant 1024 : i32
    %mul3A_14 = arith.muli %arg1, %mul3A : i32
    %add3A_15 = vector.broadcast %mul3A_14 : i32 to vector<1024x1xi32>
    %add3A_16 = arith.addi %iota3A, %add3A_15 : vector<1024x1xi32>
    %convert_element_type3A_17 = arith.sitofp %add3A_16 : vector<1024x1xi32> to vector<1024x1xf32>
    %iota3A_18 = tpu.iota {dimensions = array<i32: 1>} : vector<1024x512xi32>
    %convert_element_type3A_19 = arith.sitofp %iota3A_18 : vector<1024x512xi32> to vector<1024x512xf32>
    %mul3A_20 = arith.constant -0.0179889463 : f32
    %mul3A_21 = vector.broadcast %mul3A_20 : f32 to vector<1024x512xf32>
    %mul3A_22 = arith.mulf %convert_element_type3A_19, %mul3A_21 : vector<1024x512xf32>
    %exp3A = math.exp %mul3A_22 : vector<1024x512xf32>
    %mul3A_23 = vector.broadcast %convert_element_type3A_17 : vector<1024x1xf32> to vector<1024x512xf32>
    %mul3A_24 = arith.mulf %mul3A_23, %exp3A : vector<1024x512xf32>
    %cos3A = math.cos %mul3A_24 : vector<1024x512xf32>
    %sin3A = math.sin %mul3A_24 : vector<1024x512xf32>
    %slice3A = vector.extract_strided_slice %add3A_13 {offsets = [0, 0], sizes = [1024, 512], strides = [1, 1]} : vector<1024x1024xf32> to vector<1024x512xf32>
    %slice3A_25 = vector.extract_strided_slice %add3A_13 {offsets = [0, 512], sizes = [1024, 512], strides = [1, 1]} : vector<1024x1024xf32> to vector<1024x512xf32>
    %mul3A_26 = arith.mulf %slice3A, %cos3A : vector<1024x512xf32>
    %mul3A_27 = arith.mulf %slice3A_25, %sin3A : vector<1024x512xf32>
    %sub3A = arith.subf %mul3A_26, %mul3A_27 : vector<1024x512xf32>
    %mul3A_28 = arith.mulf %slice3A, %sin3A : vector<1024x512xf32>
    %mul3A_29 = arith.mulf %slice3A_25, %cos3A : vector<1024x512xf32>
    %add3A_30 = arith.addf %mul3A_28, %mul3A_29 : vector<1024x512xf32>
    %concatenate3A = tpu.concatenate %sub3A, %add3A_30 in 1 : vector<1024x512xf32>, vector<1024x512xf32> -> vector<1024x1024xf32>
    %convert_element_type3A_31 = arith.truncf %concatenate3A : vector<1024x1024xf32> to vector<1024x1024xbf16>
    %get3A_32 = arith.constant 0 : index
    %get3A_33 = arith.constant 0 : index
    %get3A_34 = vector.load %arg12[%get3A_32, %get3A_33] : memref<256x1024xbf16, #tpu.memory_space<vmem>>, vector<256x1024xbf16>
    %dot_general3A_35 = arith.constant dense<0.000000e+00> : vector<1024x256xf32>
    %dot_general3A_36 = tpu.matmul %convert_element_type3A_31, %get3A_34, %dot_general3A_35 {dimension_numbers = #tpu.dot_dimension_numbers<[1], [1], [0], [0], [0, 0, 1, 0], [], []>, transpose_lhs_hint = false} : vector<1024x1024xbf16>, vector<256x1024xbf16>, vector<1024x256xf32> -> vector<1024x256xf32>
    %mul3A_37 = arith.constant 3.125000e-02 : f32
    %mul3A_38 = vector.broadcast %mul3A_37 : f32 to vector<1024x256xf32>
    %mul3A_39 = arith.mulf %dot_general3A_36, %mul3A_38 : vector<1024x256xf32>
    %reduce_max3A = arith.constant dense<0xFF800000> : vector<1024xf32>
    %reduce_max3A_40 = vector.multi_reduction <maximumf>, %mul3A_39, %reduce_max3A [1] : vector<1024x256xf32> to vector<1024xf32>
    %broadcast_in_dim3A = vector.shape_cast %reduce_max3A_40 : vector<1024xf32> to vector<1024x1xf32>
    %sub3A_41 = vector.broadcast %broadcast_in_dim3A : vector<1024x1xf32> to vector<1024x256xf32>
    %sub3A_42 = arith.subf %mul3A_39, %sub3A_41 : vector<1024x256xf32>
    %exp3A_43 = math.exp %sub3A_42 : vector<1024x256xf32>
    %reduce_sum3A = arith.constant dense<0.000000e+00> : vector<1024xf32>
    %reduce_sum3A_44 = vector.multi_reduction <add>, %exp3A_43, %reduce_sum3A [1] : vector<1024x256xf32> to vector<1024xf32>
    %broadcast_in_dim3A_45 = vector.shape_cast %reduce_sum3A_44 : vector<1024xf32> to vector<1024x1xf32>
    %div3A = vector.broadcast %broadcast_in_dim3A_45 : vector<1024x1xf32> to vector<1024x256xf32>
    %div3A_46 = arith.divf %exp3A_43, %div3A : vector<1024x256xf32>
    %convert_element_type3A_47 = arith.truncf %div3A_46 : vector<1024x256xf32> to vector<1024x256xbf16>
    %get3A_48 = arith.constant 0 : index
    %get3A_49 = arith.constant 0 : index
    %get3A_50 = vector.load %arg13[%get3A_48, %get3A_49] : memref<256x1024xbf16, #tpu.memory_space<vmem>>, vector<256x1024xbf16>
    %dot_general3A_51 = arith.constant dense<0.000000e+00> : vector<1024x1024xf32>
    %dot_general3A_52 = tpu.matmul %convert_element_type3A_47, %get3A_50, %dot_general3A_51 {dimension_numbers = #tpu.dot_dimension_numbers<[1], [0], [0], [1], [0, 0, 1, 1], [], []>, transpose_lhs_hint = false} : vector<1024x256xbf16>, vector<256x1024xbf16>, vector<1024x1024xf32> -> vector<1024x1024xf32>
    %convert_element_type3A_53 = arith.truncf %dot_general3A_52 : vector<1024x1024xf32> to vector<1024x1024xbf16>
    %get3A_54 = arith.constant 0 : index
    %get3A_55 = arith.constant 0 : index
    %get3A_56 = vector.load %arg9[%get3A_54, %get3A_55] : memref<1024x1024xbf16, #tpu.memory_space<vmem>>, vector<1024x1024xbf16>
    %dot_general3A_57 = arith.constant dense<0.000000e+00> : vector<1024x1024xf32>
    %dot_general3A_58 = tpu.matmul %convert_element_type3A_53, %get3A_56, %dot_general3A_57 {dimension_numbers = #tpu.dot_dimension_numbers<[1], [0], [0], [1], [0, 0, 1, 1], [], []>, transpose_lhs_hint = false} : vector<1024x1024xbf16>, vector<1024x1024xbf16>, vector<1024x1024xf32> -> vector<1024x1024xf32>
    %get3A_59 = arith.constant 0 : index
    %get3A_60 = arith.constant 0 : index
    %get3A_61 = vector.load %arg10[%get3A_59, %get3A_60] : memref<1x1024xf32, #tpu.memory_space<vmem>>, vector<1x1024xf32>
    %add3A_62 = vector.broadcast %get3A_61 : vector<1x1024xf32> to vector<1024x1024xf32>
    %add3A_63 = arith.addf %dot_general3A_58, %add3A_62 : vector<1024x1024xf32>
    %swap3A = arith.constant 0 : index
    %swap3A_64 = arith.constant 0 : index
    %swap3A_65 = arith.constant 0 : index
    %swap3A_66 = vector.load %arg11[%swap3A, %swap3A_64, %swap3A_65] : memref<1x1024x1024xf32, #tpu.memory_space<vmem>>, vector<1x1024x1024xf32>
    %swap3A_67 = vector.shape_cast %swap3A_66 : vector<1x1024x1024xf32> to vector<1024x1024xf32>
    %swap3A_68 = vector.shape_cast %add3A_63 : vector<1024x1024xf32> to vector<1x1024x1024xf32>
    tpu.vector_store %arg11[%swap3A, %swap3A_64, %swap3A_65], %swap3A_68 {strides = array<i32>} : memref<1x1024x1024xf32, #tpu.memory_space<vmem>>, vector<1x1024x1024xf32>,
    return
  }
  func.func @transform_0(%arg0: i32, %arg1: i32) -> (i32, i32, i32) {
    %c0_i32 = arith.constant 0 : i32
    %c0_i32_0 = arith.constant 0 : i32
    return %arg0, %arg1, %c0_i32 : i32, i32, i32
  }
  func.func @transform_1(%arg0: i32, %arg1: i32) -> (i32, i32) {
    %c0_i32 = arith.constant 0 : i32
    %c0_i32_0 = arith.constant 0 : i32
    %c0_i32_1 = arith.constant 0 : i32
    return %c0_i32, %c0_i32_0 : i32, i32
  }
  func.func @transform_2(%arg0: i32, %arg1: i32) -> (i32, i32) {
    %c0_i32 = arith.constant 0 : i32
    %c0_i32_0 = arith.constant 0 : i32
    %c0_i32_1 = arith.constant 0 : i32
    return %c0_i32, %c0_i32_0 : i32, i32
  }
  func.func @transform_3(%arg0: i32, %arg1: i32) -> (i32, i32, i32) {
    %c0_i32 = arith.constant 0 : i32
    %c0_i32_0 = arith.constant 0 : i32
    %c0_i32_1 = arith.constant 0 : i32
    return %arg0, %c0_i32, %c0_i32_0 : i32, i32, i32
  }
  func.func @transform_4(%arg0: i32, %arg1: i32) -> (i32, i32, i32) {
    %c0_i32 = arith.constant 0 : i32
    %c0_i32_0 = arith.constant 0 : i32
    %c0_i32_1 = arith.constant 0 : i32
    return %arg0, %c0_i32, %c0_i32_0 : i32, i32, i32
  }
  func.func @transform_5(%arg0: i32, %arg1: i32) -> (i32, i32) {
    %c0_i32 = arith.constant 0 : i32
    %c0_i32_0 = arith.constant 0 : i32
    %c0_i32_1 = arith.constant 0 : i32
    return %c0_i32, %c0_i32_0 : i32, i32
  }
  func.func @transform_6(%arg0: i32, %arg1: i32) -> (i32, i32) {
    %c0_i32 = arith.constant 0 : i32
    %c0_i32_0 = arith.constant 0 : i32
    %c0_i32_1 = arith.constant 0 : i32
    return %c0_i32, %c0_i32_0 : i32, i32
  }
  func.func @transform_7(%arg0: i32, %arg1: i32) -> (i32, i32) {
    %c0_i32 = arith.constant 0 : i32
    %c0_i32_0 = arith.constant 0 : i32
    %c0_i32_1 = arith.constant 0 : i32
    return %c0_i32, %c0_i32_0 : i32, i32
  }
  func.func @transform_8(%arg0: i32, %arg1: i32) -> (i32, i32) {
    %c0_i32 = arith.constant 0 : i32
    %c0_i32_0 = arith.constant 0 : i32
    %c0_i32_1 = arith.constant 0 : i32
    return %c0_i32, %c0_i32_0 : i32, i32
  }
  func.func @transform_9(%arg0: i32, %arg1: i32) -> (i32, i32, i32) {
    %c0_i32 = arith.constant 0 : i32
    %c0_i32_0 = arith.constant 0 : i32
    return %arg0, %arg1, %c0_i32 : i32, i32, i32
  }
}

</mosaic_0001>

<sc_bundles>
// kernel: kernel.5.cloned.1.call-start
scs
__scs_entry_jumppad:
0x0: {  	(pc) =	sbr.rel $0x88, $3  }
0x1: {  	(tag) =	ssettag $0x0;
	lr =	simm.s32 $0x1  }
0x2: {  	[smem:$0x3F99] =	sst lr;
	_ =	strace $0xD0000000  }
0x3: {  	_ = 	snop  }
0x4: {  	_ = 	snop  }
0x5: {  	_ = 	snop  }
0x6: {  	_ = 	snop  }
0x7: {  	_ = 	snop  }
__scs_overlays_trampoline_lowered:
0x8: {  	[smem:$0x3FA8] =	sst s0  }
0x9: {  	[smem:$0x3FA9] =	sst s1  }
0xa: {  	[smem:$0x3FAA] =	sst s2  }
0xb: {  	[smem:$0x3FAB] =	sst s3  }
0xc: {  	[smem:$0x3FAC] =	sst s4  }
0xd: {  	[smem:$0x3FAD] =	sst s5  }
0xe: {  	[smem:$0x3FAE] =	sst s6  }
0xf: {  	[smem:$0x3FAF] =	sst s7  }
0x10: {  	[smem:$0x3FB0] =	sst s8  }
0x11: {  	[smem:$0x3FB1] =	sst s9;
	s0 =	simm.s32 @!p0 $0x0  }
0x12: {  	s1 =	sld [smem:$0x3F97];
	s0 =	simm.s32 @p0 $0x1  }
0x13: {  	[smem:$0x3FB2] =	sst s0;
	s0 =	simm.s32 @!p1 $0x0  }
0x14: {  	s2 =	sld [smem:$0x3F96];
	s0 =	simm.s32 @p1 $0x1  }
0x15: {  	[smem:$0x3FB3] =	sst s0;
	s0 =	simm.s32 @!p2 $0x0  }
0x16: {  	s3 =	sld [smem:$0x3FDB];
	s0 =	simm.s32 @p2 $0x1  }
0x17: {  	s4 =	simm.s32 $0x1BF5;
	[smem:$0x3FB5] =	sst s0  }
0x18: {  	s0 =	sld [smem:$0x3F98];
	_ =	swait.ge [sflag:s4], $0x0  }
0x19: {  	s7 =	sld [smem:$0x3F99]  }
0x1a: {  	s8 =	sadd.s32 $0xFFFFE003, lr  }
0x1b: {  	s9 =	sadd.s32 $0xFFFFFEF7, lr;
	s5 =	simm.s32 $0xFFFFFFFF;
	p2 =	slt.u32 s8, $0xFFFFF086  }
0x1c: {  	p1 =	slt.u32 s9, $0xF7A;
	s5 =	simm.s32 @!p2 $0x0  }
0x1d: {  	s5 =	simm.s32 @p1 $0x1;
	p0 =	seq.s32 s7, s2  }
0x1e: {  	s7 =	smul.u32 @!p0 $0xF7A, s2;
	p2 =	seq.s32 @!p0 s5, $0x0  }
0x1f: {  	s9 =	smul.u32 $0xF7A, s1;
	s8 =	simm.s32 @!p0 $0x1BF5;
	p2 =	por !p2, p0  }
0x20: {  	[sflag:s8] =	ssyncset.s32 @!p0 $0xFFFFF086;
	s6 =	sadd.s32 @!p0 s3, s7;
	s7 =	simm.s32 @!p0 $0x108  }
0x21: {  	s3 =	sadd.s32 s3, s9;
	s6 =	sadd.s32 @!p0 $0x88, s6;
	s7 =	simm.s32 @p2 $0x1082  }
0x22: {  	[simem:s7], [sflag:s8] =	dma.local @!p0 [hbm:s6], $0xF7A  }
0x23: {  	s9 =	sor.u32 $0xD0000000, s2;
	s6 =	simm.s32 $0x108;
	_ =	swait.ge @!p0 [sflag:s8], $0x0  }
0x24: {  	s3 =	sadd.s32 $0x88, s3;
	s6 =	simm.s32 @!p1 $0x1082;
	[sflag:s4] =	ssyncset.s32 $0xFFFFF086  }
0x25: {  	[simem:s6], [sflag:s4] =	dma.local [hbm:s3], $0xF7A  }
0x26: {  	[smem:$0x3F99] =	sst s1;
	(tag) =	ssettag s2;
	_ =	strace s9  }
0x27: {  	s1 =	sld [smem:$0x3FA9]  }
0x28: {  	s2 =	sld [smem:$0x3FAA]  }
0x29: {  	s4 =	sld [smem:$0x3FAC]  }
0x2a: {  	p0 =	seq.s32 s5, $0x0;
	s5 =	sld [smem:$0x3FAD]  }
0x2b: {  	s6 =	sld [smem:$0x3FAE]  }
0x2c: {  	s7 =	sld [smem:$0x3FAF]  }
0x2d: {  	s3 =	simm.s32 $0x108;
	s8 =	sld [smem:$0x3FB0]  }
0x2e: {  	s3 =	simm.s32 @!p0 $0x1082;
	s9 =	sld [smem:$0x3FB1]  }
0x2f: {  	lr =	sadd.s32 s0, s3;
	s0 =	sld [smem:$0x3FA8]  }
0x30: {  	s3 =	sld [smem:$0x3FAB]  }
0x31: {  	[smem:$0x3FB4] =	sst s10  }
0x32: {  	s10 =	sld [smem:$0x3FB2];
	_ =	sdelay $0x3  }
0x33: {  	p0 =	seq.s32 s10, $0x1;
	s10 =	sld [smem:$0x3FB4];
	_ =	sdelay $0x3  }
0x34: {  	[smem:$0x3FB4] =	sst s10  }
0x35: {  	s10 =	sld [smem:$0x3FB3];
	_ =	sdelay $0x3  }
0x36: {  	p1 =	seq.s32 s10, $0x1;
	s10 =	sld [smem:$0x3FB4];
	_ =	sdelay $0x3  }
0x37: {  	[smem:$0x3FB4] =	sst s10  }
0x38: {  	s10 =	sld [smem:$0x3FB5]  }
0x39: {  	_ = 	snop;
	(pc) =	sbr.ind lr, $3  }
0x3a: {  	_ = 	snop  }
0x3b: {  	_ = 	snop  }
0x3c: {  	p2 =	seq.s32 s10, $0x1;
	s10 =	sld [smem:$0x3FB4]  }
0x3d: {  	_ =	shalt  }
0x3e: {  	_ =	shalt  }
0x3f: {  	_ =	shalt  }
0x40: {  	_ =	shalt  }
0x41: {  	_ =	shalt  }
0x42: {  	_ =	shalt  }
0x43: {  	_ =	shalt  }
0x44: {  	_ =	shalt  }
0x45: {  	_ =	shalt  }
0x46: {  	_ =	shalt  }
0x47: {  	_ =	shalt  }
0x48: {  	_ =	shalt  }
0x49: {  	_ =	shalt  }
0x4a: {  	_ =	shalt  }
0x4b: {  	_ =	shalt  }
0x4c: {  	_ =	shalt  }
0x4d: {  	_ =	shalt  }
0x4e: {  	_ =	shalt  }
0x4f: {  	_ =	shalt  }
0x50: {  	_ =	shalt  }
0x51: {  	_ =	shalt  }
0x52: {  	_ =	shalt  }
0x53: {  	_ =	shalt  }
0x54: {  	_ =	shalt  }
0x55: {  	_ =	shalt  }
0x56: {  	_ =	shalt  }
0x57: {  	_ =	shalt  }
0x58: {  	_ =	shalt  }
0x59: {  	_ =	shalt  }
0x5a: {  	_ =	shalt  }
0x5b: {  	_ =	shalt  }
0x5c: {  	_ =	shalt  }
0x5d: {  	_ =	shalt  }
0x5e: {  	_ =	shalt  }
0x5f: {  	_ =	shalt  }
0x60: {  	_ =	shalt  }
0x61: {  	_ =	shalt  }
0x62: {  	_ =	shalt  }
0x63: {  	_ =	shalt  }
0x64: {  	_ =	shalt  }
0x65: {  	_ =	shalt  }
0x66: {  	_ =	shalt  }
0x67: {  	_ =	shalt  }
0x68: {  	_ =	shalt  }
0x69: {  	_ =	shalt  }
0x6a: {  	_ =	shalt  }
0x6b: {  	_ =	shalt  }
0x6c: {  	_ =	shalt  }
0x6d: {  	_ =	shalt  }
0x6e: {  	_ =	shalt  }
0x6f: {  	_ =	shalt  }
0x70: {  	_ =	shalt  }
0x71: {  	_ =	shalt  }
0x72: {  	_ =	shalt  }
0x73: {  	_ =	shalt  }
0x74: {  	_ =	shalt  }
0x75: {  	_ =	shalt  }
0x76: {  	_ =	shalt  }
0x77: {  	_ =	shalt  }
0x78: {  	_ =	shalt  }
0x79: {  	_ =	shalt  }
0x7a: {  	_ =	shalt  }
0x7b: {  	_ =	shalt  }
0x7c: {  	_ =	shalt  }
0x7d: {  	_ =	shalt  }
0x7e: {  	_ =	shalt  }
0x7f: {  	_ =	shalt  }
0x80: {  	_ =	shalt  }
0x81: {  	_ =	shalt  }
0x82: {  	_ =	shalt  }
0x83: {  	_ =	shalt  }
0x84: {  	_ =	shalt  }
0x85: {  	_ =	shalt  }
0x86: {  	_ =	shalt  }
0x87: {  	_ =	shalt  }
.Lfunc_end0:
.L_simem_size_0:
called_computation_lowered:
.L_overlay_start_0:
0x88: {  	s2 =	sld [smem:$0x3FD9]  }
0x89: {  	s3 =	sld [smem:$0x3FFE];
	_ =	sdelay $0x1  }
0x8a: {  	s1 =	srdreg.scid  }
0x8b: {  	s0 =	sand.u32 $0x1, s1  }
0x8c: {  	s17 =	sshll.u32 s0, $0xA;
	s2 =	sadd.s32 s3, s2  }
0x8d: {  	s2 =	sadd.s32 s2, s17  }
0x8e: {  	[smem:$0x3FC0] =	sst s2  }
0x8f: {  	_ = 	snop  }
0x90: {  	s2 =	sld [smem:$0x3FC9]  }
0x91: {  	s18 =	sld [smem:$0x3FD0];
	(tm) =	ssettm $0x1  }
0x92: {  	s4 =	sld [smem:$0x3FFB];
	_ =	sdelay $0x3  }
0x93: {  	_ =	strace s4  }
0x94: {  	s4 =	sld [smem:$0x3FFC];
	_ =	sdelay $0x3  }
0x95: {  	_ =	strace s4  }
0x96: {  	s4 =	sld [smem:$0x3FFD];
	_ =	sdelay $0x3  }
0x97: {  	_ =	strace s4  }
0x98: {  	_ =	strace $0x8FFFFFFF  }
0x99: {  	s19 =	sld [smem:$0x3FDB];
	_ =	sdelay $0x1  }
0x9a: {  	s5 =	simm.s32 $_scs_section_size  }
0x9b: {  	s6 =	simm.s32 $_size__tile_overlayer_lowered;
	s7 =	simm.s32 $_tile_overlayer_lowered  }
0x9c: {  	s22 =	simm.s32 $0x1BFF;
	s21 =	sshll.u32 s7, $0x1;
	s4 =	sadd.s32 s5, s19  }
0x9d: {  	s8 =	simm.s32 $0x0;
	s20 =	sshll.u32 s6, $0x1;
	s6 =	sadd.s32 s21, s4  }
0x9e: {  	[timem:s8], [sflag:s22] =	dma.local [hbm:s6], s20  }
0x9f: {  	_ =	swait.ge [sflag:s22], s20  }
0xa0: {  	s5 =	ssub.s32 $0x0, s20;
	[sflag:s22] =	ssyncset.done $0x0  }
0xa1: {  	[sflag:s22] =	ssyncadd.s32 s5;
	_ =	sdelay $0x1  }
0xa2: {  	s23 =	simm.s32 $0x1B8B  }
0xa3: {  	_ =	swait.ge [sflag:s23], $0x1  }
0xa4: {  	[sflag:s23] =	ssyncset.done $0x0  }
0xa5: {  	s25 =	simm.s32 $0x1B8E;
	s24 =	sld [smem:$0x3FFE];
	[sflag:s23] =	ssyncadd.s32 $0xFFFFFFFF  }
0xa6: {  	s26 =	simm.s32 $execute0_lowered;
	[smem:$0x3FD2] =	sst s25  }
0xa7: {  	s6 =	sshll.u32 s26, $0x1;
	_ =	strace $0x80000046;
	[dreg:$0x1] =	wrdreg $0xFFFFFFFF  }
0xa8: {  	s28 =	simm.s32 $_size_execute0_lowered;
	s4 =	sadd.s32 s4, s6;
	[dreg:$0x0] =	wrdreg $0x0  }
0xa9: {  	s6 =	sshll.u32 s28, $0x1;
	[dreg:$0x2] =	wrdreg s4  }
0xaa: {  	[dreg:$0x3] =	wrdreg s6  }
0xab: {  	[dreg:$0x4] =	wrdreg $0xC0  }
0xac: {  	_ =	task [dreg:s8], $0x5FFFF  }
0xad: {  	[dreg:$0x1] =	wrdreg $0xFFFFFFFF  }
0xae: {  	[dreg:$0x0] =	wrdreg $0x60  }
0xaf: {  	[dreg:$0x2] =	wrdreg s2  }
0xb0: {  	[dreg:$0x3] =	wrdreg s24  }
0xb1: {  	[dreg:$0x4] =	wrdreg s18  }
0xb2: {  	[dreg:$0x5] =	wrdreg $0x9  }
0xb3: {  	_ =	task.clear_ibuf [dreg:s8], $0x6FFFF;
	_ =	strace $0x90000046  }
0xb4: {  	s29 =	simm.s32 $0x9;
	_ =	strace $0x80000048  }
0xb5: {  	_ =	swait.ge [sflag:s29], $0x1  }
0xb6: {  	[sflag:s29] =	ssyncadd.s32 $0xFFFFFFFF  }
0xb7: {  	_ =	strace $0x90000048  }
0xb8: {  	_ =	sfence  }
0xb9: {  	s30 =	sld [smem:$0x0];
	_ =	sdelay $0x2  }
0xba: {  	s31 =	sshll.u32 s1, $0xD;
	s1 =	sshrl.u32 s1, $0x2  }
0xbb: {  	s3 =	sand.u32 $0x4000, s31;
	s1 =	sadd.s32 s1, s30  }
0xbc: {  	s0 =	sor.u32 s3, s0;
	s1 =	sshll.u32 s1, $0x11  }
0xbd: {  	s0 =	sor.u32 s1, s0  }
0xbe: {  	s0 =	sadd.s32 $0x8F2B, s0  }
0xbf: {  	[sflag:s0] =	ssyncadd.remote.s32 $0x1  }
0xc0: {  	_ =	sfence.sel $0xFFFF  }
0xc1: {  	[dreg:$0x0] =	wrdreg $0xFFFFFFFF;
	(pc) =	sbr.abs _section_cstart, $3  }
0xc2: {  	[dreg:$0x1] =	wrdreg $0xFFFFFFFF  }
0xc3: {  	_ =	task.clear_ibuf [dreg:s8], $0x2FFFF;
	_ =	strace $0x9FFFFFFF  }
0xc4: {  	(tm) =	ssettm $0x7FFFFFFF  }
0xc5: {  	_ =	shalt  }
tec
execute0_lowered:
.L_overlay_start_1:
0x0: {  	(tag) =	ssettag $0x1  }
0x1: {  	s2 =	srdreg.scid  }
0x2: {  	s1 =	rddreg [dreg:$0x0];
	s0 =	stileid.u32;
	s16 =	sand.u32 $0x1, s2  }
0x3: {  	s4 =	rddreg [dreg:$0x1];
	s30 =	sshll.u32 s0, $0x5;
	s3 =	sshll.u32 s16, $0x4  }
0x4: {  	s18 =	rddreg [dreg:$0x2];
	s19 =	sor.u32 s3, s30  }
0x5: {  	s2 =	rddreg [dreg:$0x3];
	s3 =	simm.s32 $0x0;
	s5 =	sshrl.u32 s19, $0x3  }
0x6: {  	[smem:$0x7FF] =	sst s3;
	s4 =	sadd.s32 s5, s4  }
0x7: {  	_ =	strace $0x80000047;
	s5 =	sadd.s32 $0x2400, s4;
	s4 =	simm.s32 $0x2  }
0x8: {  	[tilespmem:s3], [sflag:$0x2] =	stream.linear.gather [hbm4b:s5+s3], $0x10, $0x38;
	[tilespmem:$0x4080] =	vst v63  }
0x9: {  	_ =	swait.ge [sflag:s4], $0x10  }
0xa: {  	[sflag:s4] =	ssyncset.done $0x0  }
0xb: {  	[sflag:s4] =	ssyncadd.s32 $0xFFFFFFF0  }
0xc: {  	v0 =	vld [tilespmem:$0x0];
	_ =	sdelay $0x4  }
0xd: {  	v1 =	vshll.u32 v0, $0x3  }
0xe: {  	v2 =	vlaneseq.u32;
	v3 =	vand.u32 $0x7, v0;
	v1 =	vand.u32 $0xFFFFFFC0, v1  }
0xf: {  	v4 =	vshrl.u32 v2, $0x3;
	v0 =	vand.u32 $0x7, v2;
	v3 =	vor.u32 v3, v1  }
0x10: {  	v1 =	vmul.u32 $0x8, v4;
	v63 =	vperm.xlane v3, v0;
	_ =	sdelay $0x1  }
0x11: {  	v4 =	vadd.s32 v1, v63;
	_ =	sdelay $0x3  }
0x12: {  	vm0 =	vmmov $0xffff;
	s6 =	simm.s32 $0x80  }
0x13: {  	v2 =	vor.u32 $0x8, v2;
	[tilespmem:s6], [sflag:$0x1] =	stream.indirect_vreg.gather [hbm4b:s1+s3], $0x80, v4, vm0, $0xb8;
	[tilespmem:$0x4080] =	vst v63  }
0x14: {  	s8 =	simm.s32 $0x880;
	s7 =	sadd.s32 $0x100, s1;
	v3 =	vperm.xlane v3, v2  }
0x15: {  	[tilespmem:s8], [sflag:$0x1] =	stream.indirect_vreg.gather [hbm4b:s7+s3], $0x80, v4, vm0, $0xb8;
	[tilespmem:$0x4080] =	vst v63  }
0x16: {  	s10 =	simm.s32 $0x1080;
	s9 =	sadd.s32 $0x200, s1;
	v3 =	vadd.s32 v1, v3  }
0x17: {  	[tilespmem:s10], [sflag:$0x1] =	stream.indirect_vreg.gather [hbm4b:s9+s3], $0x80, v4, vm0, $0xb8;
	[tilespmem:$0x4080] =	vst v63  }
0x18: {  	s12 =	simm.s32 $0x1880;
	s11 =	sadd.s32 $0x300, s1  }
0x19: {  	[tilespmem:s12], [sflag:$0x1] =	stream.indirect_vreg.gather [hbm4b:s11+s3], $0x80, v4, vm0, $0xb8;
	[tilespmem:$0x4080] =	vst v63  }
0x1a: {  	s13 =	simm.s32 $0x2080;
	s20 =	ssub.s32 $0x2, s16  }
0x1b: {  	[tilespmem:s13], [sflag:$0x1] =	stream.indirect_vreg.gather [hbm4b:s1+s3], $0x80, v3, vm0, $0xb8;
	[tilespmem:$0x4080] =	vst v63  }
0x1c: {  	s14 =	simm.s32 $0x2880;
	s21 =	sshrl.u32 s20, $0x1  }
0x1d: {  	[tilespmem:s14], [sflag:$0x1] =	stream.indirect_vreg.gather [hbm4b:s7+s3], $0x80, v3, vm0, $0xb8;
	[tilespmem:$0x4080] =	vst v63  }
0x1e: {  	s15 =	simm.s32 $0x3080;
	s20 =	ssub.s32 s20, s21  }
0x1f: {  	[tilespmem:s15], [sflag:$0x1] =	stream.indirect_vreg.gather [hbm4b:s9+s3], $0x80, v3, vm0, $0xb8;
	[tilespmem:$0x4080] =	vst v63  }
0x20: {  	s17 =	simm.s32 $0x1;
	s16 =	simm.s32 $0x3880;
	s31 =	smax.u32 s20, $0x1  }
0x21: {  	[tilespmem:s16], [sflag:$0x1] =	stream.indirect_vreg.gather [hbm4b:s11+s3], $0x80, v3, vm0, $0xb8;
	[tilespmem:$0x4080] =	vst v63  }
0x22: {  	p0 =	sne.s32 s31, $0x1;
	_ =	swait.ge [sflag:s17], $0x4000  }
.Ltmp0:
0x23: {  	s19 =	sshll.u32 s19, $0x7;
	[sflag:s17] =	ssyncset.done $0x0;
	(pc) =	sbr.rel @!p0 .LBB2_2-.Ltmp0, $4  }
0x24: {  	s18 =	sadd.s32 s18, s19;
	[sflag:s17] =	ssyncadd.s32 $0xFFFFC000  }
0x25: {  	[hbm4b:s18+s3] =	stream.linear.scatter [tilespmem:s6], [sflag:$0x2], $0x4000, $0x38;
	[tilespmem:$0x4080] =	vst v63  }
0x26: {  	_ =	swait.ge [sflag:s4], $0x4000  }
0x27: {  	s19 =	sadd.s32 $0xFFFFFFFF, s31;
	[sflag:s4] =	ssyncset.done $0x0  }
.LBB2_1:
0x28: {  	p0 =	sne.s32 s19, $0x1;
	s19 =	sadd.s32 $0xFFFFFFFF, s19;
	[sflag:s4] =	ssyncadd.s32 $0xFFFFC000  }
0x29: {  	[tilespmem:s3], [sflag:$0x2] =	stream.linear.gather [hbm4b:s5+s3], $0x10, $0x38;
	[tilespmem:$0x4080] =	vst v63  }
0x2a: {  	_ =	swait.ge [sflag:s4], $0x10  }
0x2b: {  	[sflag:s4] =	ssyncset.done $0x0  }
0x2c: {  	[sflag:s4] =	ssyncadd.s32 $0xFFFFFFF0  }
0x2d: {  	v3 =	vld [tilespmem:$0x0];
	_ =	sdelay $0x4  }
0x2e: {  	v4 =	vshll.u32 v3, $0x3  }
0x2f: {  	v3 =	vand.u32 $0x7, v3;
	v4 =	vand.u32 $0xFFFFFFC0, v4  }
0x30: {  	v3 =	vor.u32 v3, v4  }
0x31: {  	v4 =	vperm.xlane v3, v0;
	v3 =	vperm.xlane v3, v2;
	_ =	sdelay $0x1  }
0x32: {  	v4 =	vadd.s32 v1, v4;
	_ =	sdelay $0x4  }
0x33: {  	[tilespmem:s6], [sflag:$0x1] =	stream.indirect_vreg.gather [hbm4b:s1+s3], $0x80, v4, vm0, $0xb8;
	[tilespmem:$0x4080] =	vst v63  }
0x34: {  	_ = 	snop  }
0x35: {  	[tilespmem:s8], [sflag:$0x1] =	stream.indirect_vreg.gather [hbm4b:s7+s3], $0x80, v4, vm0, $0xb8;
	[tilespmem:$0x4080] =	vst v63  }
0x36: {  	v3 =	vadd.s32 v1, v3  }
0x37: {  	[tilespmem:s10], [sflag:$0x1] =	stream.indirect_vreg.gather [hbm4b:s9+s3], $0x80, v4, vm0, $0xb8;
	[tilespmem:$0x4080] =	vst v63  }
0x38: {  	_ = 	snop  }
0x39: {  	[tilespmem:s12], [sflag:$0x1] =	stream.indirect_vreg.gather [hbm4b:s11+s3], $0x80, v4, vm0, $0xb8;
	[tilespmem:$0x4080] =	vst v63  }
0x3a: {  	_ = 	snop  }
0x3b: {  	[tilespmem:s13], [sflag:$0x1] =	stream.indirect_vreg.gather [hbm4b:s1+s3], $0x80, v3, vm0, $0xb8;
	[tilespmem:$0x4080] =	vst v63  }
0x3c: {  	_ = 	snop  }
0x3d: {  	[tilespmem:s14], [sflag:$0x1] =	stream.indirect_vreg.gather [hbm4b:s7+s3], $0x80, v3, vm0, $0xb8;
	[tilespmem:$0x4080] =	vst v63  }
0x3e: {  	_ = 	snop  }
0x3f: {  	[tilespmem:s15], [sflag:$0x1] =	stream.indirect_vreg.gather [hbm4b:s9+s3], $0x80, v3, vm0, $0xb8;
	[tilespmem:$0x4080] =	vst v63  }
0x40: {  	_ = 	snop  }
0x41: {  	[tilespmem:s16], [sflag:$0x1] =	stream.indirect_vreg.gather [hbm4b:s11+s3], $0x80, v3, vm0, $0xb8;
	[tilespmem:$0x4080] =	vst v63  }
0x42: {  	_ =	swait.ge [sflag:s17], $0x4000  }
.Ltmp1:
0x43: {  	[sflag:s17] =	ssyncset.done $0x0;
	(pc) =	sbr.rel @p0 .LBB2_1-.Ltmp1, $4  }
0x44: {  	[sflag:s17] =	ssyncadd.s32 $0xFFFFC000  }
0x45: {  	[hbm4b:s18+s3] =	stream.linear.scatter [tilespmem:s6], [sflag:$0x2], $0x4000, $0x38;
	[tilespmem:$0x4080] =	vst v63  }
0x46: {  	_ =	swait.ge [sflag:s4], $0x4000  }
0x47: {  	[sflag:s4] =	ssyncset.done $0x0  }
.LBB2_2:
0x48: {  	[sflag:s4] =	ssyncadd.s32 $0xFFFFC000  }
0x49: {  	_ =	sfence.sel $0x180000  }
0x4a: {  	[bflag:$0x0] =	sbarrier.arrive $0xFFFF  }
0x4b: {  	p0 =	sne.s32 s0, $0x0;
	_ =	strace $0x90000047  }
0x4c: {  	s0 =	sadd.s32 @!p0 $0x100000, s2;
	[bflag:$0x2] =	sbarrier.arrive $0xFFFF  }
0x4d: {  	[sflag:s0] =	ssyncadd.tile.s32 @!p0 $0x1;
	_ =	shalt  }
.Lfunc_end2:
_tile_overlayer_lowered:
.L_overlay_start_2:
0x4e: {  	(tag) =	ssettag $0x2  }
0x4f: {  	s0 =	rddreg [dreg:$0x0];
	s2 =	stileid.u32  }
0x50: {  	s1 =	rddreg [dreg:$0x1];
	p0 =	sne.s32 s2, $0x0  }
0x51: {  	s3 =	rddreg [dreg:$0x2];
	[bflag:$0x3] =	sbarrier.arrive $0xFFFF;
	s2 =	simm.s32 @!p0 $0x1C02  }
0x52: {  	[timem:s3], [sflag:s2] =	dma.local @!p0 [hbm:s0], s1  }
0x53: {  	s0 =	simm.s32 @!p0 $0x2  }
0x54: {  	_ =	swait.ge @!p0 [sflag:s0], s1  }
0x55: {  	s1 =	ssub.s32 @!p0 $0x0, s1;
	[sflag:s0] =	ssyncset.done @!p0 $0x0  }
0x56: {  	[sflag:s0] =	ssyncadd.s32 @!p0 s1  }
0x57: {  	[bflag:$0x3] =	sbarrier.arrive $0xFFFF  }
0x58: {  	_ =	shalt  }

</sc_bundles>
